<compile_context>
chip_gen: v7x
topology: tpu7x:2x2x1
jax: 0.10.2.dev20260603
libtpu: 0.0.44.dev20260713+nightly
codegen_flags: <defaults>
</compile_context>

<pallas_src>
import jax
import jax.numpy as jnp
from jax import lax
from jax.experimental import pallas as pl
from jax.experimental.pallas import tpu as pltpu
from jax.experimental.pallas import tpu_sc as plsc

N = 10000
E = 320000
NFEAT = 128
NHEADS = 8
DHEAD = 16
ALPHA = 0.2

NC = 2
NS = 16
NW = NC * NS
CHUNK = 80
NCHUNKS = E // CHUNK
NK = NCHUNKS // NW
N_PAD = 10112
ROWS_PER_TILE = N_PAD // NS


def _dense_body(x_ref, wc_ref, wb_ref, ms_ref, md_ref, ab_ref,
                wh_ref, ex_ref):
    wh = jnp.dot(x_ref[...], wc_ref[...],
                 preferred_element_type=jnp.float32) + wb_ref[...]
    wh_ref[...] = wh.astype(jnp.bfloat16)
    a_s = jnp.dot(wh, ms_ref[...], preferred_element_type=jnp.float32)
    a_d = jnp.dot(wh, md_ref[...], preferred_element_type=jnp.float32)
    a_d = a_d + ab_ref[...]
    bnd = (jnp.max(a_s, axis=0, keepdims=True)
           + jnp.max(a_d, axis=0, keepdims=True))
    bnd = jnp.maximum(bnd, ALPHA * bnd)
    ex_ref[...] = jnp.concatenate(
        [a_s, a_d, jnp.broadcast_to(bnd, (N, 16)),
         jnp.zeros((N, 80), jnp.float32)], axis=1)


def _sc_body(wh_hbm, as_hbm, ad_hbm, bnd_hbm, src_hbm, dst_hbm,
             num_out, den_out,
             num_sh, den_sh, src_v, dst_v, asr_v, adr_v, whb_v, whr_v,
             bnd_v, sem_i, sem_g, sem_s):
    c = lax.axis_index("c")
    s = lax.axis_index("s")
    wid = s * NC + c
    pltpu.sync_copy(bnd_hbm, bnd_v)
    bndv = bnd_v[...]

    def off_of(k):
        kc = jnp.minimum(k, NK - 1)
        return (kc * NW + wid) * CHUNK

    def issue_idx(k):
        q = lax.rem(k, 4)
        off = off_of(k)
        a = pltpu.async_copy(src_hbm.at[pl.ds(off, CHUNK)], src_v.at[q], sem_i)
        b = pltpu.async_copy(dst_hbm.at[pl.ds(off, CHUNK)], dst_v.at[q], sem_i)
        return a, b

    def wait_idx():
        pltpu.make_async_copy(src_hbm.at[pl.ds(0, CHUNK)], src_v.at[0],
                              sem_i).wait()
        pltpu.make_async_copy(dst_hbm.at[pl.ds(0, CHUNK)], dst_v.at[0],
                              sem_i).wait()

    def issue_gathers(k):
        q = lax.rem(k, 4)
        p = lax.rem(k, 2) * CHUNK
        pltpu.async_copy(as_hbm.at[src_v.at[q]], asr_v.at[pl.ds(p, CHUNK)],
                         sem_g)
        pltpu.async_copy(ad_hbm.at[dst_v.at[q]], adr_v.at[pl.ds(p, CHUNK)],
                         sem_g)
        pltpu.async_copy(wh_hbm.at[src_v.at[q]], whb_v.at[pl.ds(p, CHUNK)],
                         sem_g)

    def wait_gathers():
        pltpu.make_async_copy(as_hbm.at[src_v.at[0]],
                              asr_v.at[pl.ds(0, CHUNK)], sem_g).wait()
        pltpu.make_async_copy(ad_hbm.at[dst_v.at[0]],
                              adr_v.at[pl.ds(0, CHUNK)], sem_g).wait()
        pltpu.make_async_copy(wh_hbm.at[src_v.at[0]],
                              whb_v.at[pl.ds(0, CHUNK)], sem_g).wait()

    def issue_scatters(k):
        q = lax.rem(k, 4)
        p = lax.rem(k, 2) * CHUNK
        pltpu.async_copy(asr_v.at[pl.ds(p, CHUNK)], den_sh.at[dst_v.at[q]],
                         sem_s, add=True)
        pltpu.async_copy(whr_v.at[pl.ds(p, CHUNK)], num_sh.at[dst_v.at[q]],
                         sem_s, add=True)

    def wait_scatters():
        pltpu.make_async_copy(asr_v.at[pl.ds(0, CHUNK)],
                              den_sh.at[dst_v.at[0]], sem_s).wait()
        pltpu.make_async_copy(whr_v.at[pl.ds(0, CHUNK)],
                              num_sh.at[dst_v.at[0]], sem_s).wait()

    def compute(k):
        p = lax.rem(k, 2) * CHUNK

        @plsc.parallel_loop(0, CHUNK, 1, unroll=4)
        def _edge(i):
            r = p + i
            t = asr_v[r, :] + adr_v[r, :]
            w = jnp.exp(jnp.maximum(t, ALPHA * t) - bndv)
            asr_v[r, :] = w
            for j in range(NHEADS):
                wh16 = whb_v[r, pl.ds(j * 16, 16)].astype(jnp.float32)
                whr_v[r, pl.ds(j * 16, 16)] = w * wh16

    issue_idx(0)
    issue_idx(1)

    zv = jnp.zeros((16,), jnp.float32)
    row0 = s * ROWS_PER_TILE

    @plsc.parallel_loop(0, 2 * CHUNK, 1, unroll=4)
    def _zasr(i):
        asr_v[i, :] = zv

    @plsc.parallel_loop(0, CHUNK, 1, unroll=4)
    def _zwhr(i):
        for j in range(NHEADS):
            whr_v[CHUNK + i, pl.ds(j * 16, 16)] = zv

    for t in range(ROWS_PER_TILE // CHUNK):
        pltpu.sync_copy(whr_v.at[pl.ds(CHUNK, CHUNK)],
                        num_sh.at[pl.ds(row0 + t * CHUNK, CHUNK)])
    pltpu.sync_copy(whr_v.at[pl.ds(CHUNK, ROWS_PER_TILE % CHUNK)],
                    num_sh.at[pl.ds(row0 + ROWS_PER_TILE - ROWS_PER_TILE % CHUNK,
                                    ROWS_PER_TILE % CHUNK)])
    for t in range(ROWS_PER_TILE // (2 * CHUNK)):
        pltpu.sync_copy(asr_v.at[pl.ds(0, 2 * CHUNK)],
                        den_sh.at[pl.ds(row0 + t * 2 * CHUNK, 2 * CHUNK)])
    pltpu.sync_copy(
        asr_v.at[pl.ds(0, ROWS_PER_TILE % (2 * CHUNK))],
        den_sh.at[pl.ds(row0 + ROWS_PER_TILE - ROWS_PER_TILE % (2 * CHUNK),
                        ROWS_PER_TILE % (2 * CHUNK))])

    wait_idx()
    issue_gathers(0)
    plsc.subcore_barrier()

    def step(k, carry):
        wait_gathers()
        wait_idx()

        @pl.when(k > 0)
        def _():
            wait_scatters()

        issue_gathers(k + 1)
        compute(k)
        issue_scatters(k)
        issue_idx(k + 2)
        return carry

    lax.fori_loop(0, NK, step, 0)
    wait_gathers()
    wait_scatters()
    wait_idx()
    plsc.subcore_barrier()
    pltpu.sync_copy(num_sh.at[pl.ds(row0, ROWS_PER_TILE)],
                    num_out.at[c, pl.ds(row0, ROWS_PER_TILE)])
    pltpu.sync_copy(den_sh.at[pl.ds(row0, ROWS_PER_TILE)],
                    den_out.at[c, pl.ds(row0, ROWS_PER_TILE)])


def _combine_body(num_ref, den_ref, brep_ref, pmat_ref, out_ref):
    num = num_ref[0, :N, :] + num_ref[1, :N, :]
    den16 = den_ref[0, :N, :] + den_ref[1, :N, :]
    dex = jnp.dot(den16, brep_ref[...], preferred_element_type=jnp.float32)
    q = num / jnp.where(dex > 0, dex, 1.0)
    out_ref[...] = jnp.dot(q, pmat_ref[...], preferred_element_type=jnp.float32)


def kernel(x, edge_index, W, Wb, A, Ab):
    f32 = jnp.float32
    jcol = jnp.arange(128)
    perm = (jcol % NHEADS) * DHEAD + jcol // NHEADS
    Wc = W.transpose(1, 0, 2).reshape(NFEAT, NHEADS * DHEAD)[:, perm]
    Wb_c = Wb.reshape(1, NHEADS * DHEAD)[:, perm]
    colh = jnp.arange(16) % NHEADS
    rowh = jcol % NHEADS
    rowd = jcol // NHEADS
    sel = rowh[:, None] == colh[None, :]
    Ms = jnp.where(sel, A[colh[None, :], rowd[:, None]], 0.0).astype(f32)
    Md = jnp.where(sel, A[colh[None, :], 16 + rowd[:, None]], 0.0).astype(f32)
    ab_row = Ab[colh][None, :].astype(f32)

    wh, extras = pl.pallas_call(
        _dense_body,
        out_shape=[jax.ShapeDtypeStruct((N, 128), jnp.bfloat16),
                   jax.ShapeDtypeStruct((N, 128), f32)],
    )(x, Wc, Wb_c, Ms, Md, ab_row)
    atab_s = extras[:, 0:16]
    atab_d = extras[:, 16:32]
    bnd = extras[0, 32:48]

    src = edge_index[0]
    dst = edge_index[1]

    mesh = plsc.VectorSubcoreMesh(core_axis_name="c", subcore_axis_name="s",
                                  num_cores=NC, num_subcores=NS)
    sc = pl.kernel(
        _sc_body,
        out_type=[jax.ShapeDtypeStruct((NC, N_PAD, 128), f32),
                  jax.ShapeDtypeStruct((NC, N_PAD, 16), f32)],
        mesh=mesh,
        compiler_params=pltpu.CompilerParams(use_tc_tiling_on_sc=False),
        scratch_types=[
            pltpu.VMEM_SHARED((N_PAD, 128), f32),
            pltpu.VMEM_SHARED((N_PAD, 16), f32),
            pltpu.VMEM((4, CHUNK), jnp.int32),
            pltpu.VMEM((4, CHUNK), jnp.int32),
            pltpu.VMEM((2 * CHUNK, 16), f32),
            pltpu.VMEM((2 * CHUNK, 16), f32),
            pltpu.VMEM((2 * CHUNK, 128), jnp.bfloat16),
            pltpu.VMEM((2 * CHUNK, 128), f32),
            pltpu.VMEM((16,), f32),
            pltpu.SemaphoreType.DMA,
            pltpu.SemaphoreType.DMA,
            pltpu.SemaphoreType.DMA,
        ],
    )
    num_parts, den_parts = sc(wh, atab_s, atab_d, bnd, src, dst)

    brep = (jnp.arange(16)[:, None] == (jcol[None, :] % NHEADS)).astype(f32)
    pj = (jcol % DHEAD) * NHEADS + jcol // DHEAD
    pmat = (jcol[:, None] == pj[None, :]).astype(f32)
    out = pl.pallas_call(
        _combine_body,
        out_shape=jax.ShapeDtypeStruct((N, 128), f32),
    )(num_parts, den_parts, brep, pmat)
    return out

# --- scband reference (transcript-rebuilt; emitter-appended) ---
"""Pipeline reference for scband-gat-88639535055056 (READ-ONLY COPY).

The authoritative reference and input builder live on the scoring server;
editing this copy changes nothing except your own understanding.
"""

import jax, jax.numpy as jnp
import numpy as np

N = 10000
E = 320000
NFEAT = 128
NHEADS = 8
DHEAD = 16  # nhid // nheads = 128 // 8
ALPHA = 0.2


def setup_inputs(seed: int = 0) -> dict:
    key = jax.random.key(seed)
    ks = jax.random.split(key, 4)
    x = jax.random.normal(ks[0], (N, NFEAT), dtype=jnp.float32)
    edge_index = jax.random.randint(ks[1], (2, E), 0, N, dtype=jnp.int32)
    gain = 1.414
    bw = gain * float(np.sqrt(6.0 / (NFEAT + DHEAD)))
    W = jax.random.uniform(ks[2], (NHEADS, NFEAT, DHEAD), minval=-bw, maxval=bw, dtype=jnp.float32)
    Wb = jnp.zeros((NHEADS, DHEAD), dtype=jnp.float32)
    ba = gain * float(np.sqrt(6.0 / (2 * DHEAD + 1)))
    A = jax.random.uniform(ks[3], (NHEADS, 2 * DHEAD), minval=-ba, maxval=ba, dtype=jnp.float32)
    Ab = jnp.zeros((NHEADS,), dtype=jnp.float32)
    return {"x": x, "edge_index": edge_index, "W": W, "Wb": Wb, "A": A, "Ab": Ab}


def reference(x, edge_index, W, Wb, A, Ab):
    # Multi-head GAT layer (eval mode: dropout is identity).
    # All nodes have ids==t and all edges have turn==t (single-turn graph).
    src = edge_index[0]
    dst = edge_index[1]
    # Per-head linear projection: Wh[h] = x @ W[h] + Wb[h]
    Wh = jnp.einsum('nf,hfo->hno', x, W) + Wb[:, None, :]  # [H, N, D]
    Wh_src = jnp.take(Wh, src, axis=1)  # [H, E, D]
    Wh_dst = jnp.take(Wh, dst, axis=1)  # [H, E, D]
    # edge attention logits: a([Wh_src || Wh_dst]) then LeakyReLU(alpha)
    cat = jnp.concatenate([Wh_src, Wh_dst], axis=-1)  # [H, E, 2D]
    e = jnp.einsum('hec,hc->he', cat, A) + Ab[:, None]  # [H, E]
    e = jax.nn.leaky_relu(e, negative_slope=ALPHA)
    # softmax over incoming edges per destination node (segment softmax)
    eT = e.T  # [E, H]
    m = jax.ops.segment_max(eT, dst, num_segments=N)  # [N, H]
    m = jnp.where(jnp.isfinite(m), m, 0.0)
    e_exp = jnp.exp(eT - m[dst])  # [E, H]
    denom = jax.ops.segment_sum(e_exp, dst, num_segments=N)  # [N, H]
    d_g = denom[dst]
    attn = e_exp / jnp.where(d_g > 0, d_g, 1.0)  # [E, H]
    # weighted aggregation of source features
    weighted = attn[:, :, None] * Wh_src.transpose(1, 0, 2)  # [E, H, D]
    h_prime = jax.ops.segment_sum(weighted, dst, num_segments=N)  # [N, H, D]
    # concat heads
    return h_prime.reshape(N, NHEADS * DHEAD)

if __name__ == "__main__":
    import jax
    _d = setup_inputs()
    print(jax.jit(kernel)(*tuple(_d.values())))

</pallas_src>

<mosaic_0001>
#map = affine_map<(d0, d1) -> (0, 0)>
#map1 = affine_map<(d0, d1) -> (0)>
#map2 = affine_map<(d0, d1) -> (0, 0, 0)>
module attributes {stable_mosaic.version = 14 : i64} {
  func.func @_sc_body(%arg0: i32, %arg1: i32, %arg2: memref<10000x128xbf16, #tpu.memory_space<hbm>>, %arg3: memref<10000x16xf32, #tpu.memory_space<hbm>>, %arg4: memref<10000x16xf32, #tpu.memory_space<hbm>>, %arg5: memref<16xf32, #tpu.memory_space<hbm>>, %arg6: memref<320000xi32, #tpu.memory_space<hbm>>, %arg7: memref<320000xi32, #tpu.memory_space<hbm>>, %arg8: memref<2x10112x128xf32, #tpu.memory_space<hbm>>, %arg9: memref<2x10112x16xf32, #tpu.memory_space<hbm>>, %arg10: memref<10112x128xf32, #tpu.memory_space<vmem_shared>>, %arg11: memref<10112x16xf32, #tpu.memory_space<vmem_shared>>, %arg12: memref<4x80xi32, #tpu.memory_space<vmem>>, %arg13: memref<4x80xi32, #tpu.memory_space<vmem>>, %arg14: memref<160x16xf32, #tpu.memory_space<vmem>>, %arg15: memref<160x16xf32, #tpu.memory_space<vmem>>, %arg16: memref<160x128xbf16, #tpu.memory_space<vmem>>, %arg17: memref<160x128xf32, #tpu.memory_space<vmem>>, %arg18: memref<16xf32, #tpu.memory_space<vmem>>, %arg19: memref<!tpu.dma_semaphore, #tpu.memory_space<semaphore_mem>>, %arg20: memref<!tpu.dma_semaphore, #tpu.memory_space<semaphore_mem>>, %arg21: memref<!tpu.dma_semaphore, #tpu.memory_space<semaphore_mem>>) attributes {dimension_semantics = [#tpu.dimension_semantics<core_parallel>, #tpu.dimension_semantics<subcore_parallel>], iteration_bounds = array<i64: 2, 16>, scalar_prefetch = 0 : i64, scratch_operands = 12 : i64, tpu.core_type = #tpu.core_type<sc_vector_subcore>, window_params = [{transform_indices = #map}, {transform_indices = #map}, {transform_indices = #map}, {transform_indices = #map1}, {transform_indices = #map1}, {transform_indices = #map1}, {transform_indices = #map2}, {transform_indices = #map2}]} {
    %mul3A = arith.constant 2 : i32
    %mul3A_0 = arith.muli %arg1, %mul3A : i32
    %add3A = arith.addi %mul3A_0, %arg0 : i32
    "tpu.region"() ({
      %run_scoped3A = tpu.sem_alloc : memref<!tpu.dma_semaphore, #tpu.memory_space<semaphore_mem>>
      tpu.enqueue_dma source(%arg5 : memref<16xf32, #tpu.memory_space<hbm>>) target(%arg18 : memref<16xf32, #tpu.memory_space<vmem>>) target_semaphore(%run_scoped3A : memref<!tpu.dma_semaphore, #tpu.memory_space<semaphore_mem>>)
      tpu.wait_dma2 semaphore(%run_scoped3A : memref<!tpu.dma_semaphore, #tpu.memory_space<semaphore_mem>>) src(%arg5 : memref<16xf32, #tpu.memory_space<hbm>>) dst(%arg18 : memref<16xf32, #tpu.memory_space<vmem>>)
      tpu.yield
    }) : () -> ()
    %get3A = arith.constant 0 : index
    %get3A_1 = tpu.vector_load %arg18[%get3A] {strides = array<i32>} : memref<16xf32, #tpu.memory_space<vmem>>, vector<16xf32>,
    %get3A_2 = vector.shape_cast %get3A_1 : vector<16xf32> to vector<16xf32>
    %rem3A = arith.constant 0 : i32
    %rem3A_3 = arith.constant 4 : i32
    %rem3A_4 = arith.remsi %rem3A, %rem3A_3 : i32
    %min3A = arith.constant 0 : i32
    %min3A_5 = arith.constant 124 : i32
    %min3A_6 = arith.minsi %min3A, %min3A_5 : i32
    %mul3A_7 = arith.constant 32 : i32
    %mul3A_8 = arith.muli %min3A_6, %mul3A_7 : i32
    %add3A_9 = arith.addi %mul3A_8, %add3A : i32
    %mul3A_10 = arith.constant 80 : i32
    %mul3A_11 = arith.muli %add3A_9, %mul3A_10 : i32
    %dma_start3A = arith.constant 0 : i32
    %dma_start3A_12 = tpu.memref_slice %arg12[%rem3A_4, %dma_start3A] : memref<4x80xi32, #tpu.memory_space<vmem>> -> memref<1x80xi32, #tpu.memory_space<vmem>>
    %dma_start3A_13 = tpu.memref_squeeze %dma_start3A_12 : memref<1x80xi32, #tpu.memory_space<vmem>> -> memref<80xi32, #tpu.memory_space<vmem>>
    %dma_start3A_14 = tpu.memref_slice %arg6[%mul3A_11] : memref<320000xi32, #tpu.memory_space<hbm>> -> memref<80xi32, #tpu.memory_space<hbm>>
    %dma_start3A_15 = arith.constant 0 : i32
    %dma_start3A_16 = tpu.memref_slice %arg12[%rem3A_4, %dma_start3A_15] : memref<4x80xi32, #tpu.memory_space<vmem>> -> memref<1x80xi32, #tpu.memory_space<vmem>>
    %dma_start3A_17 = tpu.memref_squeeze %dma_start3A_16 : memref<1x80xi32, #tpu.memory_space<vmem>> -> memref<80xi32, #tpu.memory_space<vmem>>
    %dma_start3A_18 = tpu.memref_slice %arg6[%mul3A_11] : memref<320000xi32, #tpu.memory_space<hbm>> -> memref<80xi32, #tpu.memory_space<hbm>>
    tpu.enqueue_dma source(%dma_start3A_18 : memref<80xi32, #tpu.memory_space<hbm>>) target(%dma_start3A_17 : memref<80xi32, #tpu.memory_space<vmem>>) target_semaphore(%arg19 : memref<!tpu.dma_semaphore, #tpu.memory_space<semaphore_mem>>)
    %dma_start3A_19 = arith.constant 0 : i32
    %dma_start3A_20 = tpu.memref_slice %arg13[%rem3A_4, %dma_start3A_19] : memref<4x80xi32, #tpu.memory_space<vmem>> -> memref<1x80xi32, #tpu.memory_space<vmem>>
    %dma_start3A_21 = tpu.memref_squeeze %dma_start3A_20 : memref<1x80xi32, #tpu.memory_space<vmem>> -> memref<80xi32, #tpu.memory_space<vmem>>
    %dma_start3A_22 = tpu.memref_slice %arg7[%mul3A_11] : memref<320000xi32, #tpu.memory_space<hbm>> -> memref<80xi32, #tpu.memory_space<hbm>>
    %dma_start3A_23 = arith.constant 0 : i32
    %dma_start3A_24 = tpu.memref_slice %arg13[%rem3A_4, %dma_start3A_23] : memref<4x80xi32, #tpu.memory_space<vmem>> -> memref<1x80xi32, #tpu.memory_space<vmem>>
    %dma_start3A_25 = tpu.memref_squeeze %dma_start3A_24 : memref<1x80xi32, #tpu.memory_space<vmem>> -> memref<80xi32, #tpu.memory_space<vmem>>
    %dma_start3A_26 = tpu.memref_slice %arg7[%mul3A_11] : memref<320000xi32, #tpu.memory_space<hbm>> -> memref<80xi32, #tpu.memory_space<hbm>>
    tpu.enqueue_dma source(%dma_start3A_26 : memref<80xi32, #tpu.memory_space<hbm>>) target(%dma_start3A_25 : memref<80xi32, #tpu.memory_space<vmem>>) target_semaphore(%arg19 : memref<!tpu.dma_semaphore, #tpu.memory_space<semaphore_mem>>)
    %rem3A_27 = arith.constant 1 : i32
    %rem3A_28 = arith.constant 4 : i32
    %rem3A_29 = arith.remsi %rem3A_27, %rem3A_28 : i32
    %min3A_30 = arith.constant 1 : i32
    %min3A_31 = arith.constant 124 : i32
    %min3A_32 = arith.minsi %min3A_30, %min3A_31 : i32
    %mul3A_33 = arith.constant 32 : i32
    %mul3A_34 = arith.muli %min3A_32, %mul3A_33 : i32
    %add3A_35 = arith.addi %mul3A_34, %add3A : i32
    %mul3A_36 = arith.constant 80 : i32
    %mul3A_37 = arith.muli %add3A_35, %mul3A_36 : i32
    %dma_start3A_38 = arith.constant 0 : i32
    %dma_start3A_39 = tpu.memref_slice %arg12[%rem3A_29, %dma_start3A_38] : memref<4x80xi32, #tpu.memory_space<vmem>> -> memref<1x80xi32, #tpu.memory_space<vmem>>
    %dma_start3A_40 = tpu.memref_squeeze %dma_start3A_39 : memref<1x80xi32, #tpu.memory_space<vmem>> -> memref<80xi32, #tpu.memory_space<vmem>>
    %dma_start3A_41 = tpu.memref_slice %arg6[%mul3A_37] : memref<320000xi32, #tpu.memory_space<hbm>> -> memref<80xi32, #tpu.memory_space<hbm>>
    %dma_start3A_42 = arith.constant 0 : i32
    %dma_start3A_43 = tpu.memref_slice %arg12[%rem3A_29, %dma_start3A_42] : memref<4x80xi32, #tpu.memory_space<vmem>> -> memref<1x80xi32, #tpu.memory_space<vmem>>
    %dma_start3A_44 = tpu.memref_squeeze %dma_start3A_43 : memref<1x80xi32, #tpu.memory_space<vmem>> -> memref<80xi32, #tpu.memory_space<vmem>>
    %dma_start3A_45 = tpu.memref_slice %arg6[%mul3A_37] : memref<320000xi32, #tpu.memory_space<hbm>> -> memref<80xi32, #tpu.memory_space<hbm>>
    tpu.enqueue_dma source(%dma_start3A_45 : memref<80xi32, #tpu.memory_space<hbm>>) target(%dma_start3A_44 : memref<80xi32, #tpu.memory_space<vmem>>) target_semaphore(%arg19 : memref<!tpu.dma_semaphore, #tpu.memory_space<semaphore_mem>>)
    %dma_start3A_46 = arith.constant 0 : i32
    %dma_start3A_47 = tpu.memref_slice %arg13[%rem3A_29, %dma_start3A_46] : memref<4x80xi32, #tpu.memory_space<vmem>> -> memref<1x80xi32, #tpu.memory_space<vmem>>
    %dma_start3A_48 = tpu.memref_squeeze %dma_start3A_47 : memref<1x80xi32, #tpu.memory_space<vmem>> -> memref<80xi32, #tpu.memory_space<vmem>>
    %dma_start3A_49 = tpu.memref_slice %arg7[%mul3A_37] : memref<320000xi32, #tpu.memory_space<hbm>> -> memref<80xi32, #tpu.memory_space<hbm>>
    %dma_start3A_50 = arith.constant 0 : i32
    %dma_start3A_51 = tpu.memref_slice %arg13[%rem3A_29, %dma_start3A_50] : memref<4x80xi32, #tpu.memory_space<vmem>> -> memref<1x80xi32, #tpu.memory_space<vmem>>
    %dma_start3A_52 = tpu.memref_squeeze %dma_start3A_51 : memref<1x80xi32, #tpu.memory_space<vmem>> -> memref<80xi32, #tpu.memory_space<vmem>>
    %dma_start3A_53 = tpu.memref_slice %arg7[%mul3A_37] : memref<320000xi32, #tpu.memory_space<hbm>> -> memref<80xi32, #tpu.memory_space<hbm>>
    tpu.enqueue_dma source(%dma_start3A_53 : memref<80xi32, #tpu.memory_space<hbm>>) target(%dma_start3A_52 : memref<80xi32, #tpu.memory_space<vmem>>) target_semaphore(%arg19 : memref<!tpu.dma_semaphore, #tpu.memory_space<semaphore_mem>>)
    %broadcast_in_dim3A = arith.constant 0.000000e+00 : f32
    %broadcast_in_dim3A_54 = vector.broadcast %broadcast_in_dim3A : f32 to vector<16xf32>
    %mul3A_55 = arith.constant 632 : i32
    %mul3A_56 = arith.muli %arg1, %mul3A_55 : i32
    %parallel_loop3A = arith.constant 0 : i32
    %parallel_loop3A_57 = arith.constant 160 : i32
    %parallel_loop3A_58 = arith.constant 1 : i32
    scf.for %parallel_loop3A_220 = %parallel_loop3A to %parallel_loop3A_57 step %parallel_loop3A_58  : i32 {
      %parallel_loop3A_221 = arith.index_cast %parallel_loop3A_220 : i32 to index
      %parallel_loop3A_222 = arith.constant 0 : index
      %parallel_loop3A_223 = tpu.vector_load %arg14[%parallel_loop3A_221, %parallel_loop3A_222] {strides = array<i32>} : memref<160x16xf32, #tpu.memory_space<vmem>>, vector<1x16xf32>,
      %parallel_loop3A_224 = vector.shape_cast %parallel_loop3A_223 : vector<1x16xf32> to vector<16xf32>
      %parallel_loop3A_225 = vector.shape_cast %broadcast_in_dim3A_54 : vector<16xf32> to vector<1x16xf32>
      tpu.vector_store %arg14[%parallel_loop3A_221, %parallel_loop3A_222], %parallel_loop3A_225 {strides = array<i32>} : memref<160x16xf32, #tpu.memory_space<vmem>>, vector<1x16xf32>,
    } {sc.loop_unroll_factor = 4 : i64, sc.parallel_access}
    %parallel_loop3A_59 = arith.constant 0 : i32
    %parallel_loop3A_60 = arith.constant 80 : i32
    %parallel_loop3A_61 = arith.constant 1 : i32
    scf.for %parallel_loop3A_220 = %parallel_loop3A_59 to %parallel_loop3A_60 step %parallel_loop3A_61  : i32 {
      %parallel_loop3A_221 = arith.constant 80 : i32
      %parallel_loop3A_222 = arith.addi %parallel_loop3A_221, %parallel_loop3A_220 : i32
      %parallel_loop3A_223 = arith.index_cast %parallel_loop3A_222 : i32 to index
      %parallel_loop3A_224 = arith.constant 0 : index
      %parallel_loop3A_225 = tpu.vector_load %arg17[%parallel_loop3A_223, %parallel_loop3A_224] {strides = array<i32>} : memref<160x128xf32, #tpu.memory_space<vmem>>, vector<1x16xf32>,
      %parallel_loop3A_226 = vector.shape_cast %parallel_loop3A_225 : vector<1x16xf32> to vector<16xf32>
      %parallel_loop3A_227 = vector.shape_cast %broadcast_in_dim3A_54 : vector<16xf32> to vector<1x16xf32>
      tpu.vector_store %arg17[%parallel_loop3A_223, %parallel_loop3A_224], %parallel_loop3A_227 {strides = array<i32>} : memref<160x128xf32, #tpu.memory_space<vmem>>, vector<1x16xf32>,
      %parallel_loop3A_228 = arith.constant 80 : i32
      %parallel_loop3A_229 = arith.addi %parallel_loop3A_228, %parallel_loop3A_220 : i32
      %parallel_loop3A_230 = arith.index_cast %parallel_loop3A_229 : i32 to index
      %parallel_loop3A_231 = arith.constant 16 : index
      %parallel_loop3A_232 = tpu.vector_load %arg17[%parallel_loop3A_230, %parallel_loop3A_231] {strides = array<i32>} : memref<160x128xf32, #tpu.memory_space<vmem>>, vector<1x16xf32>,
      %parallel_loop3A_233 = vector.shape_cast %parallel_loop3A_232 : vector<1x16xf32> to vector<16xf32>
      %parallel_loop3A_234 = vector.shape_cast %broadcast_in_dim3A_54 : vector<16xf32> to vector<1x16xf32>
      tpu.vector_store %arg17[%parallel_loop3A_230, %parallel_loop3A_231], %parallel_loop3A_234 {strides = array<i32>} : memref<160x128xf32, #tpu.memory_space<vmem>>, vector<1x16xf32>,
      %parallel_loop3A_235 = arith.constant 80 : i32
      %parallel_loop3A_236 = arith.addi %parallel_loop3A_235, %parallel_loop3A_220 : i32
      %parallel_loop3A_237 = arith.index_cast %parallel_loop3A_236 : i32 to index
      %parallel_loop3A_238 = arith.constant 32 : index
      %parallel_loop3A_239 = tpu.vector_load %arg17[%parallel_loop3A_237, %parallel_loop3A_238] {strides = array<i32>} : memref<160x128xf32, #tpu.memory_space<vmem>>, vector<1x16xf32>,
      %parallel_loop3A_240 = vector.shape_cast %parallel_loop3A_239 : vector<1x16xf32> to vector<16xf32>
      %parallel_loop3A_241 = vector.shape_cast %broadcast_in_dim3A_54 : vector<16xf32> to vector<1x16xf32>
      tpu.vector_store %arg17[%parallel_loop3A_237, %parallel_loop3A_238], %parallel_loop3A_241 {strides = array<i32>} : memref<160x128xf32, #tpu.memory_space<vmem>>, vector<1x16xf32>,
      %parallel_loop3A_242 = arith.constant 80 : i32
      %parallel_loop3A_243 = arith.addi %parallel_loop3A_242, %parallel_loop3A_220 : i32
      %parallel_loop3A_244 = arith.index_cast %parallel_loop3A_243 : i32 to index
      %parallel_loop3A_245 = arith.constant 48 : index
      %parallel_loop3A_246 = tpu.vector_load %arg17[%parallel_loop3A_244, %parallel_loop3A_245] {strides = array<i32>} : memref<160x128xf32, #tpu.memory_space<vmem>>, vector<1x16xf32>,
      %parallel_loop3A_247 = vector.shape_cast %parallel_loop3A_246 : vector<1x16xf32> to vector<16xf32>
      %parallel_loop3A_248 = vector.shape_cast %broadcast_in_dim3A_54 : vector<16xf32> to vector<1x16xf32>
      tpu.vector_store %arg17[%parallel_loop3A_244, %parallel_loop3A_245], %parallel_loop3A_248 {strides = array<i32>} : memref<160x128xf32, #tpu.memory_space<vmem>>, vector<1x16xf32>,
      %parallel_loop3A_249 = arith.constant 80 : i32
      %parallel_loop3A_250 = arith.addi %parallel_loop3A_249, %parallel_loop3A_220 : i32
      %parallel_loop3A_251 = arith.index_cast %parallel_loop3A_250 : i32 to index
      %parallel_loop3A_252 = arith.constant 64 : index
      %parallel_loop3A_253 = tpu.vector_load %arg17[%parallel_loop3A_251, %parallel_loop3A_252] {strides = array<i32>} : memref<160x128xf32, #tpu.memory_space<vmem>>, vector<1x16xf32>,
      %parallel_loop3A_254 = vector.shape_cast %parallel_loop3A_253 : vector<1x16xf32> to vector<16xf32>
      %parallel_loop3A_255 = vector.shape_cast %broadcast_in_dim3A_54 : vector<16xf32> to vector<1x16xf32>
      tpu.vector_store %arg17[%parallel_loop3A_251, %parallel_loop3A_252], %parallel_loop3A_255 {strides = array<i32>} : memref<160x128xf32, #tpu.memory_space<vmem>>, vector<1x16xf32>,
      %parallel_loop3A_256 = arith.constant 80 : i32
      %parallel_loop3A_257 = arith.addi %parallel_loop3A_256, %parallel_loop3A_220 : i32
      %parallel_loop3A_258 = arith.index_cast %parallel_loop3A_257 : i32 to index
      %parallel_loop3A_259 = arith.constant 80 : index
      %parallel_loop3A_260 = tpu.vector_load %arg17[%parallel_loop3A_258, %parallel_loop3A_259] {strides = array<i32>} : memref<160x128xf32, #tpu.memory_space<vmem>>, vector<1x16xf32>,
      %parallel_loop3A_261 = vector.shape_cast %parallel_loop3A_260 : vector<1x16xf32> to vector<16xf32>
      %parallel_loop3A_262 = vector.shape_cast %broadcast_in_dim3A_54 : vector<16xf32> to vector<1x16xf32>
      tpu.vector_store %arg17[%parallel_loop3A_258, %parallel_loop3A_259], %parallel_loop3A_262 {strides = array<i32>} : memref<160x128xf32, #tpu.memory_space<vmem>>, vector<1x16xf32>,
      %parallel_loop3A_263 = arith.constant 80 : i32
      %parallel_loop3A_264 = arith.addi %parallel_loop3A_263, %parallel_loop3A_220 : i32
      %parallel_loop3A_265 = arith.index_cast %parallel_loop3A_264 : i32 to index
      %parallel_loop3A_266 = arith.constant 96 : index
      %parallel_loop3A_267 = tpu.vector_load %arg17[%parallel_loop3A_265, %parallel_loop3A_266] {strides = array<i32>} : memref<160x128xf32, #tpu.memory_space<vmem>>, vector<1x16xf32>,
      %parallel_loop3A_268 = vector.shape_cast %parallel_loop3A_267 : vector<1x16xf32> to vector<16xf32>
      %parallel_loop3A_269 = vector.shape_cast %broadcast_in_dim3A_54 : vector<16xf32> to vector<1x16xf32>
      tpu.vector_store %arg17[%parallel_loop3A_265, %parallel_loop3A_266], %parallel_loop3A_269 {strides = array<i32>} : memref<160x128xf32, #tpu.memory_space<vmem>>, vector<1x16xf32>,
      %parallel_loop3A_270 = arith.constant 80 : i32
      %parallel_loop3A_271 = arith.addi %parallel_loop3A_270, %parallel_loop3A_220 : i32
      %parallel_loop3A_272 = arith.index_cast %parallel_loop3A_271 : i32 to index
      %parallel_loop3A_273 = arith.constant 112 : index
      %parallel_loop3A_274 = tpu.vector_load %arg17[%parallel_loop3A_272, %parallel_loop3A_273] {strides = array<i32>} : memref<160x128xf32, #tpu.memory_space<vmem>>, vector<1x16xf32>,
      %parallel_loop3A_275 = vector.shape_cast %parallel_loop3A_274 : vector<1x16xf32> to vector<16xf32>
      %parallel_loop3A_276 = vector.shape_cast %broadcast_in_dim3A_54 : vector<16xf32> to vector<1x16xf32>
      tpu.vector_store %arg17[%parallel_loop3A_272, %parallel_loop3A_273], %parallel_loop3A_276 {strides = array<i32>} : memref<160x128xf32, #tpu.memory_space<vmem>>, vector<1x16xf32>,
    } {sc.loop_unroll_factor = 4 : i64, sc.parallel_access}
    %add3A_62 = arith.constant 0 : i32
    %add3A_63 = arith.addi %mul3A_56, %add3A_62 : i32
    "tpu.region"() ({
      %run_scoped3A = tpu.sem_alloc : memref<!tpu.dma_semaphore, #tpu.memory_space<semaphore_mem>>
      %dma_start3A_220 = arith.constant 80 : i32
      %dma_start3A_221 = arith.constant 0 : i32
      %dma_start3A_222 = tpu.memref_slice %arg17[%dma_start3A_220, %dma_start3A_221] : memref<160x128xf32, #tpu.memory_space<vmem>> -> memref<80x128xf32, #tpu.memory_space<vmem>>
      %dma_start3A_223 = arith.constant 0 : i32
      %dma_start3A_224 = tpu.memref_slice %arg10[%add3A_63, %dma_start3A_223] : memref<10112x128xf32, #tpu.memory_space<vmem_shared>> -> memref<80x128xf32, #tpu.memory_space<vmem_shared>>
      %dma_start3A_225 = arith.constant 0 : i32
      %dma_start3A_226 = tpu.memref_slice %arg10[%add3A_63, %dma_start3A_225] : memref<10112x128xf32, #tpu.memory_space<vmem_shared>> -> memref<80x128xf32, #tpu.memory_space<vmem_shared>>
      %dma_start3A_227 = arith.constant 80 : i32
      %dma_start3A_228 = arith.constant 0 : i32
      %dma_start3A_229 = tpu.memref_slice %arg17[%dma_start3A_227, %dma_start3A_228] : memref<160x128xf32, #tpu.memory_space<vmem>> -> memref<80x128xf32, #tpu.memory_space<vmem>>
      tpu.enqueue_dma source(%dma_start3A_229 : memref<80x128xf32, #tpu.memory_space<vmem>>) target(%dma_start3A_226 : memref<80x128xf32, #tpu.memory_space<vmem_shared>>) target_semaphore(%run_scoped3A : memref<!tpu.dma_semaphore, #tpu.memory_space<semaphore_mem>>)
      %dma_wait3A_230 = arith.constant 80 : i32
      %dma_wait3A_231 = arith.constant 0 : i32
      %dma_wait3A_232 = tpu.memref_slice %arg17[%dma_wait3A_230, %dma_wait3A_231] : memref<160x128xf32, #tpu.memory_space<vmem>> -> memref<80x128xf32, #tpu.memory_space<vmem>>
      %dma_wait3A_233 = arith.constant 0 : i32
      %dma_wait3A_234 = tpu.memref_slice %arg10[%add3A_63, %dma_wait3A_233] : memref<10112x128xf32, #tpu.memory_space<vmem_shared>> -> memref<80x128xf32, #tpu.memory_space<vmem_shared>>
      %dma_wait3A_235 = arith.constant 0 : i32
      %dma_wait3A_236 = tpu.memref_slice %arg10[%add3A_63, %dma_wait3A_235] : memref<10112x128xf32, #tpu.memory_space<vmem_shared>> -> memref<80x128xf32, #tpu.memory_space<vmem_shared>>
      %dma_wait3A_237 = arith.constant 80 : i32
      %dma_wait3A_238 = arith.constant 0 : i32
      %dma_wait3A_239 = tpu.memref_slice %arg17[%dma_wait3A_237, %dma_wait3A_238] : memref<160x128xf32, #tpu.memory_space<vmem>> -> memref<80x128xf32, #tpu.memory_space<vmem>>
      tpu.wait_dma2 semaphore(%run_scoped3A : memref<!tpu.dma_semaphore, #tpu.memory_space<semaphore_mem>>) src(%dma_wait3A_239 : memref<80x128xf32, #tpu.memory_space<vmem>>) dst(%dma_wait3A_236 : memref<80x128xf32, #tpu.memory_space<vmem_shared>>)
      tpu.yield
    }) : () -> ()
    %add3A_64 = arith.constant 80 : i32
    %add3A_65 = arith.addi %mul3A_56, %add3A_64 : i32
    "tpu.region"() ({
      %run_scoped3A = tpu.sem_alloc : memref<!tpu.dma_semaphore, #tpu.memory_space<semaphore_mem>>
      %dma_start3A_220 = arith.constant 80 : i32
      %dma_start3A_221 = arith.constant 0 : i32
      %dma_start3A_222 = tpu.memref_slice %arg17[%dma_start3A_220, %dma_start3A_221] : memref<160x128xf32, #tpu.memory_space<vmem>> -> memref<80x128xf32, #tpu.memory_space<vmem>>
      %dma_start3A_223 = arith.constant 0 : i32
      %dma_start3A_224 = tpu.memref_slice %arg10[%add3A_65, %dma_start3A_223] : memref<10112x128xf32, #tpu.memory_space<vmem_shared>> -> memref<80x128xf32, #tpu.memory_space<vmem_shared>>
      %dma_start3A_225 = arith.constant 0 : i32
      %dma_start3A_226 = tpu.memref_slice %arg10[%add3A_65, %dma_start3A_225] : memref<10112x128xf32, #tpu.memory_space<vmem_shared>> -> memref<80x128xf32, #tpu.memory_space<vmem_shared>>
      %dma_start3A_227 = arith.constant 80 : i32
      %dma_start3A_228 = arith.constant 0 : i32
      %dma_start3A_229 = tpu.memref_slice %arg17[%dma_start3A_227, %dma_start3A_228] : memref<160x128xf32, #tpu.memory_space<vmem>> -> memref<80x128xf32, #tpu.memory_space<vmem>>
      tpu.enqueue_dma source(%dma_start3A_229 : memref<80x128xf32, #tpu.memory_space<vmem>>) target(%dma_start3A_226 : memref<80x128xf32, #tpu.memory_space<vmem_shared>>) target_semaphore(%run_scoped3A : memref<!tpu.dma_semaphore, #tpu.memory_space<semaphore_mem>>)
      %dma_wait3A_230 = arith.constant 80 : i32
      %dma_wait3A_231 = arith.constant 0 : i32
      %dma_wait3A_232 = tpu.memref_slice %arg17[%dma_wait3A_230, %dma_wait3A_231] : memref<160x128xf32, #tpu.memory_space<vmem>> -> memref<80x128xf32, #tpu.memory_space<vmem>>
      %dma_wait3A_233 = arith.constant 0 : i32
      %dma_wait3A_234 = tpu.memref_slice %arg10[%add3A_65, %dma_wait3A_233] : memref<10112x128xf32, #tpu.memory_space<vmem_shared>> -> memref<80x128xf32, #tpu.memory_space<vmem_shared>>
      %dma_wait3A_235 = arith.constant 0 : i32
      %dma_wait3A_236 = tpu.memref_slice %arg10[%add3A_65, %dma_wait3A_235] : memref<10112x128xf32, #tpu.memory_space<vmem_shared>> -> memref<80x128xf32, #tpu.memory_space<vmem_shared>>
      %dma_wait3A_237 = arith.constant 80 : i32
      %dma_wait3A_238 = arith.constant 0 : i32
      %dma_wait3A_239 = tpu.memref_slice %arg17[%dma_wait3A_237, %dma_wait3A_238] : memref<160x128xf32, #tpu.memory_space<vmem>> -> memref<80x128xf32, #tpu.memory_space<vmem>>
      tpu.wait_dma2 semaphore(%run_scoped3A : memref<!tpu.dma_semaphore, #tpu.memory_space<semaphore_mem>>) src(%dma_wait3A_239 : memref<80x128xf32, #tpu.memory_space<vmem>>) dst(%dma_wait3A_236 : memref<80x128xf32, #tpu.memory_space<vmem_shared>>)
      tpu.yield
    }) : () -> ()
    %add3A_66 = arith.constant 160 : i32
    %add3A_67 = arith.addi %mul3A_56, %add3A_66 : i32
    "tpu.region"() ({
      %run_scoped3A = tpu.sem_alloc : memref<!tpu.dma_semaphore, #tpu.memory_space<semaphore_mem>>
      %dma_start3A_220 = arith.constant 80 : i32
      %dma_start3A_221 = arith.constant 0 : i32
      %dma_start3A_222 = tpu.memref_slice %arg17[%dma_start3A_220, %dma_start3A_221] : memref<160x128xf32, #tpu.memory_space<vmem>> -> memref<80x128xf32, #tpu.memory_space<vmem>>
      %dma_start3A_223 = arith.constant 0 : i32
      %dma_start3A_224 = tpu.memref_slice %arg10[%add3A_67, %dma_start3A_223] : memref<10112x128xf32, #tpu.memory_space<vmem_shared>> -> memref<80x128xf32, #tpu.memory_space<vmem_shared>>
      %dma_start3A_225 = arith.constant 0 : i32
      %dma_start3A_226 = tpu.memref_slice %arg10[%add3A_67, %dma_start3A_225] : memref<10112x128xf32, #tpu.memory_space<vmem_shared>> -> memref<80x128xf32, #tpu.memory_space<vmem_shared>>
      %dma_start3A_227 = arith.constant 80 : i32
      %dma_start3A_228 = arith.constant 0 : i32
      %dma_start3A_229 = tpu.memref_slice %arg17[%dma_start3A_227, %dma_start3A_228] : memref<160x128xf32, #tpu.memory_space<vmem>> -> memref<80x128xf32, #tpu.memory_space<vmem>>
      tpu.enqueue_dma source(%dma_start3A_229 : memref<80x128xf32, #tpu.memory_space<vmem>>) target(%dma_start3A_226 : memref<80x128xf32, #tpu.memory_space<vmem_shared>>) target_semaphore(%run_scoped3A : memref<!tpu.dma_semaphore, #tpu.memory_space<semaphore_mem>>)
      %dma_wait3A_230 = arith.constant 80 : i32
      %dma_wait3A_231 = arith.constant 0 : i32
      %dma_wait3A_232 = tpu.memref_slice %arg17[%dma_wait3A_230, %dma_wait3A_231] : memref<160x128xf32, #tpu.memory_space<vmem>> -> memref<80x128xf32, #tpu.memory_space<vmem>>
      %dma_wait3A_233 = arith.constant 0 : i32
      %dma_wait3A_234 = tpu.memref_slice %arg10[%add3A_67, %dma_wait3A_233] : memref<10112x128xf32, #tpu.memory_space<vmem_shared>> -> memref<80x128xf32, #tpu.memory_space<vmem_shared>>
      %dma_wait3A_235 = arith.constant 0 : i32
      %dma_wait3A_236 = tpu.memref_slice %arg10[%add3A_67, %dma_wait3A_235] : memref<10112x128xf32, #tpu.memory_space<vmem_shared>> -> memref<80x128xf32, #tpu.memory_space<vmem_shared>>
      %dma_wait3A_237 = arith.constant 80 : i32
      %dma_wait3A_238 = arith.constant 0 : i32
      %dma_wait3A_239 = tpu.memref_slice %arg17[%dma_wait3A_237, %dma_wait3A_238] : memref<160x128xf32, #tpu.memory_space<vmem>> -> memref<80x128xf32, #tpu.memory_space<vmem>>
      tpu.wait_dma2 semaphore(%run_scoped3A : memref<!tpu.dma_semaphore, #tpu.memory_space<semaphore_mem>>) src(%dma_wait3A_239 : memref<80x128xf32, #tpu.memory_space<vmem>>) dst(%dma_wait3A_236 : memref<80x128xf32, #tpu.memory_space<vmem_shared>>)
      tpu.yield
    }) : () -> ()
    %add3A_68 = arith.constant 240 : i32
    %add3A_69 = arith.addi %mul3A_56, %add3A_68 : i32
    "tpu.region"() ({
      %run_scoped3A = tpu.sem_alloc : memref<!tpu.dma_semaphore, #tpu.memory_space<semaphore_mem>>
      %dma_start3A_220 = arith.constant 80 : i32
      %dma_start3A_221 = arith.constant 0 : i32
      %dma_start3A_222 = tpu.memref_slice %arg17[%dma_start3A_220, %dma_start3A_221] : memref<160x128xf32, #tpu.memory_space<vmem>> -> memref<80x128xf32, #tpu.memory_space<vmem>>
      %dma_start3A_223 = arith.constant 0 : i32
      %dma_start3A_224 = tpu.memref_slice %arg10[%add3A_69, %dma_start3A_223] : memref<10112x128xf32, #tpu.memory_space<vmem_shared>> -> memref<80x128xf32, #tpu.memory_space<vmem_shared>>
      %dma_start3A_225 = arith.constant 0 : i32
      %dma_start3A_226 = tpu.memref_slice %arg10[%add3A_69, %dma_start3A_225] : memref<10112x128xf32, #tpu.memory_space<vmem_shared>> -> memref<80x128xf32, #tpu.memory_space<vmem_shared>>
      %dma_start3A_227 = arith.constant 80 : i32
      %dma_start3A_228 = arith.constant 0 : i32
      %dma_start3A_229 = tpu.memref_slice %arg17[%dma_start3A_227, %dma_start3A_228] : memref<160x128xf32, #tpu.memory_space<vmem>> -> memref<80x128xf32, #tpu.memory_space<vmem>>
      tpu.enqueue_dma source(%dma_start3A_229 : memref<80x128xf32, #tpu.memory_space<vmem>>) target(%dma_start3A_226 : memref<80x128xf32, #tpu.memory_space<vmem_shared>>) target_semaphore(%run_scoped3A : memref<!tpu.dma_semaphore, #tpu.memory_space<semaphore_mem>>)
      %dma_wait3A_230 = arith.constant 80 : i32
      %dma_wait3A_231 = arith.constant 0 : i32
      %dma_wait3A_232 = tpu.memref_slice %arg17[%dma_wait3A_230, %dma_wait3A_231] : memref<160x128xf32, #tpu.memory_space<vmem>> -> memref<80x128xf32, #tpu.memory_space<vmem>>
      %dma_wait3A_233 = arith.constant 0 : i32
      %dma_wait3A_234 = tpu.memref_slice %arg10[%add3A_69, %dma_wait3A_233] : memref<10112x128xf32, #tpu.memory_space<vmem_shared>> -> memref<80x128xf32, #tpu.memory_space<vmem_shared>>
      %dma_wait3A_235 = arith.constant 0 : i32
      %dma_wait3A_236 = tpu.memref_slice %arg10[%add3A_69, %dma_wait3A_235] : memref<10112x128xf32, #tpu.memory_space<vmem_shared>> -> memref<80x128xf32, #tpu.memory_space<vmem_shared>>
      %dma_wait3A_237 = arith.constant 80 : i32
      %dma_wait3A_238 = arith.constant 0 : i32
      %dma_wait3A_239 = tpu.memref_slice %arg17[%dma_wait3A_237, %dma_wait3A_238] : memref<160x128xf32, #tpu.memory_space<vmem>> -> memref<80x128xf32, #tpu.memory_space<vmem>>
      tpu.wait_dma2 semaphore(%run_scoped3A : memref<!tpu.dma_semaphore, #tpu.memory_space<semaphore_mem>>) src(%dma_wait3A_239 : memref<80x128xf32, #tpu.memory_space<vmem>>) dst(%dma_wait3A_236 : memref<80x128xf32, #tpu.memory_space<vmem_shared>>)
      tpu.yield
    }) : () -> ()
    %add3A_70 = arith.constant 320 : i32
    %add3A_71 = arith.addi %mul3A_56, %add3A_70 : i32
    "tpu.region"() ({
      %run_scoped3A = tpu.sem_alloc : memref<!tpu.dma_semaphore, #tpu.memory_space<semaphore_mem>>
      %dma_start3A_220 = arith.constant 80 : i32
      %dma_start3A_221 = arith.constant 0 : i32
      %dma_start3A_222 = tpu.memref_slice %arg17[%dma_start3A_220, %dma_start3A_221] : memref<160x128xf32, #tpu.memory_space<vmem>> -> memref<80x128xf32, #tpu.memory_space<vmem>>
      %dma_start3A_223 = arith.constant 0 : i32
      %dma_start3A_224 = tpu.memref_slice %arg10[%add3A_71, %dma_start3A_223] : memref<10112x128xf32, #tpu.memory_space<vmem_shared>> -> memref<80x128xf32, #tpu.memory_space<vmem_shared>>
      %dma_start3A_225 = arith.constant 0 : i32
      %dma_start3A_226 = tpu.memref_slice %arg10[%add3A_71, %dma_start3A_225] : memref<10112x128xf32, #tpu.memory_space<vmem_shared>> -> memref<80x128xf32, #tpu.memory_space<vmem_shared>>
      %dma_start3A_227 = arith.constant 80 : i32
      %dma_start3A_228 = arith.constant 0 : i32
      %dma_start3A_229 = tpu.memref_slice %arg17[%dma_start3A_227, %dma_start3A_228] : memref<160x128xf32, #tpu.memory_space<vmem>> -> memref<80x128xf32, #tpu.memory_space<vmem>>
      tpu.enqueue_dma source(%dma_start3A_229 : memref<80x128xf32, #tpu.memory_space<vmem>>) target(%dma_start3A_226 : memref<80x128xf32, #tpu.memory_space<vmem_shared>>) target_semaphore(%run_scoped3A : memref<!tpu.dma_semaphore, #tpu.memory_space<semaphore_mem>>)
      %dma_wait3A_230 = arith.constant 80 : i32
      %dma_wait3A_231 = arith.constant 0 : i32
      %dma_wait3A_232 = tpu.memref_slice %arg17[%dma_wait3A_230, %dma_wait3A_231] : memref<160x128xf32, #tpu.memory_space<vmem>> -> memref<80x128xf32, #tpu.memory_space<vmem>>
      %dma_wait3A_233 = arith.constant 0 : i32
      %dma_wait3A_234 = tpu.memref_slice %arg10[%add3A_71, %dma_wait3A_233] : memref<10112x128xf32, #tpu.memory_space<vmem_shared>> -> memref<80x128xf32, #tpu.memory_space<vmem_shared>>
      %dma_wait3A_235 = arith.constant 0 : i32
      %dma_wait3A_236 = tpu.memref_slice %arg10[%add3A_71, %dma_wait3A_235] : memref<10112x128xf32, #tpu.memory_space<vmem_shared>> -> memref<80x128xf32, #tpu.memory_space<vmem_shared>>
      %dma_wait3A_237 = arith.constant 80 : i32
      %dma_wait3A_238 = arith.constant 0 : i32
      %dma_wait3A_239 = tpu.memref_slice %arg17[%dma_wait3A_237, %dma_wait3A_238] : memref<160x128xf32, #tpu.memory_space<vmem>> -> memref<80x128xf32, #tpu.memory_space<vmem>>
      tpu.wait_dma2 semaphore(%run_scoped3A : memref<!tpu.dma_semaphore, #tpu.memory_space<semaphore_mem>>) src(%dma_wait3A_239 : memref<80x128xf32, #tpu.memory_space<vmem>>) dst(%dma_wait3A_236 : memref<80x128xf32, #tpu.memory_space<vmem_shared>>)
      tpu.yield
    }) : () -> ()
    %add3A_72 = arith.constant 400 : i32
    %add3A_73 = arith.addi %mul3A_56, %add3A_72 : i32
    "tpu.region"() ({
      %run_scoped3A = tpu.sem_alloc : memref<!tpu.dma_semaphore, #tpu.memory_space<semaphore_mem>>
      %dma_start3A_220 = arith.constant 80 : i32
      %dma_start3A_221 = arith.constant 0 : i32
      %dma_start3A_222 = tpu.memref_slice %arg17[%dma_start3A_220, %dma_start3A_221] : memref<160x128xf32, #tpu.memory_space<vmem>> -> memref<80x128xf32, #tpu.memory_space<vmem>>
      %dma_start3A_223 = arith.constant 0 : i32
      %dma_start3A_224 = tpu.memref_slice %arg10[%add3A_73, %dma_start3A_223] : memref<10112x128xf32, #tpu.memory_space<vmem_shared>> -> memref<80x128xf32, #tpu.memory_space<vmem_shared>>
      %dma_start3A_225 = arith.constant 0 : i32
      %dma_start3A_226 = tpu.memref_slice %arg10[%add3A_73, %dma_start3A_225] : memref<10112x128xf32, #tpu.memory_space<vmem_shared>> -> memref<80x128xf32, #tpu.memory_space<vmem_shared>>
      %dma_start3A_227 = arith.constant 80 : i32
      %dma_start3A_228 = arith.constant 0 : i32
      %dma_start3A_229 = tpu.memref_slice %arg17[%dma_start3A_227, %dma_start3A_228] : memref<160x128xf32, #tpu.memory_space<vmem>> -> memref<80x128xf32, #tpu.memory_space<vmem>>
      tpu.enqueue_dma source(%dma_start3A_229 : memref<80x128xf32, #tpu.memory_space<vmem>>) target(%dma_start3A_226 : memref<80x128xf32, #tpu.memory_space<vmem_shared>>) target_semaphore(%run_scoped3A : memref<!tpu.dma_semaphore, #tpu.memory_space<semaphore_mem>>)
      %dma_wait3A_230 = arith.constant 80 : i32
      %dma_wait3A_231 = arith.constant 0 : i32
      %dma_wait3A_232 = tpu.memref_slice %arg17[%dma_wait3A_230, %dma_wait3A_231] : memref<160x128xf32, #tpu.memory_space<vmem>> -> memref<80x128xf32, #tpu.memory_space<vmem>>
      %dma_wait3A_233 = arith.constant 0 : i32
      %dma_wait3A_234 = tpu.memref_slice %arg10[%add3A_73, %dma_wait3A_233] : memref<10112x128xf32, #tpu.memory_space<vmem_shared>> -> memref<80x128xf32, #tpu.memory_space<vmem_shared>>
      %dma_wait3A_235 = arith.constant 0 : i32
      %dma_wait3A_236 = tpu.memref_slice %arg10[%add3A_73, %dma_wait3A_235] : memref<10112x128xf32, #tpu.memory_space<vmem_shared>> -> memref<80x128xf32, #tpu.memory_space<vmem_shared>>
      %dma_wait3A_237 = arith.constant 80 : i32
      %dma_wait3A_238 = arith.constant 0 : i32
      %dma_wait3A_239 = tpu.memref_slice %arg17[%dma_wait3A_237, %dma_wait3A_238] : memref<160x128xf32, #tpu.memory_space<vmem>> -> memref<80x128xf32, #tpu.memory_space<vmem>>
      tpu.wait_dma2 semaphore(%run_scoped3A : memref<!tpu.dma_semaphore, #tpu.memory_space<semaphore_mem>>) src(%dma_wait3A_239 : memref<80x128xf32, #tpu.memory_space<vmem>>) dst(%dma_wait3A_236 : memref<80x128xf32, #tpu.memory_space<vmem_shared>>)
      tpu.yield
    }) : () -> ()
    %add3A_74 = arith.constant 480 : i32
    %add3A_75 = arith.addi %mul3A_56, %add3A_74 : i32
    "tpu.region"() ({
      %run_scoped3A = tpu.sem_alloc : memref<!tpu.dma_semaphore, #tpu.memory_space<semaphore_mem>>
      %dma_start3A_220 = arith.constant 80 : i32
      %dma_start3A_221 = arith.constant 0 : i32
      %dma_start3A_222 = tpu.memref_slice %arg17[%dma_start3A_220, %dma_start3A_221] : memref<160x128xf32, #tpu.memory_space<vmem>> -> memref<80x128xf32, #tpu.memory_space<vmem>>
      %dma_start3A_223 = arith.constant 0 : i32
      %dma_start3A_224 = tpu.memref_slice %arg10[%add3A_75, %dma_start3A_223] : memref<10112x128xf32, #tpu.memory_space<vmem_shared>> -> memref<80x128xf32, #tpu.memory_space<vmem_shared>>
      %dma_start3A_225 = arith.constant 0 : i32
      %dma_start3A_226 = tpu.memref_slice %arg10[%add3A_75, %dma_start3A_225] : memref<10112x128xf32, #tpu.memory_space<vmem_shared>> -> memref<80x128xf32, #tpu.memory_space<vmem_shared>>
      %dma_start3A_227 = arith.constant 80 : i32
      %dma_start3A_228 = arith.constant 0 : i32
      %dma_start3A_229 = tpu.memref_slice %arg17[%dma_start3A_227, %dma_start3A_228] : memref<160x128xf32, #tpu.memory_space<vmem>> -> memref<80x128xf32, #tpu.memory_space<vmem>>
      tpu.enqueue_dma source(%dma_start3A_229 : memref<80x128xf32, #tpu.memory_space<vmem>>) target(%dma_start3A_226 : memref<80x128xf32, #tpu.memory_space<vmem_shared>>) target_semaphore(%run_scoped3A : memref<!tpu.dma_semaphore, #tpu.memory_space<semaphore_mem>>)
      %dma_wait3A_230 = arith.constant 80 : i32
      %dma_wait3A_231 = arith.constant 0 : i32
      %dma_wait3A_232 = tpu.memref_slice %arg17[%dma_wait3A_230, %dma_wait3A_231] : memref<160x128xf32, #tpu.memory_space<vmem>> -> memref<80x128xf32, #tpu.memory_space<vmem>>
      %dma_wait3A_233 = arith.constant 0 : i32
      %dma_wait3A_234 = tpu.memref_slice %arg10[%add3A_75, %dma_wait3A_233] : memref<10112x128xf32, #tpu.memory_space<vmem_shared>> -> memref<80x128xf32, #tpu.memory_space<vmem_shared>>
      %dma_wait3A_235 = arith.constant 0 : i32
      %dma_wait3A_236 = tpu.memref_slice %arg10[%add3A_75, %dma_wait3A_235] : memref<10112x128xf32, #tpu.memory_space<vmem_shared>> -> memref<80x128xf32, #tpu.memory_space<vmem_shared>>
      %dma_wait3A_237 = arith.constant 80 : i32
      %dma_wait3A_238 = arith.constant 0 : i32
      %dma_wait3A_239 = tpu.memref_slice %arg17[%dma_wait3A_237, %dma_wait3A_238] : memref<160x128xf32, #tpu.memory_space<vmem>> -> memref<80x128xf32, #tpu.memory_space<vmem>>
      tpu.wait_dma2 semaphore(%run_scoped3A : memref<!tpu.dma_semaphore, #tpu.memory_space<semaphore_mem>>) src(%dma_wait3A_239 : memref<80x128xf32, #tpu.memory_space<vmem>>) dst(%dma_wait3A_236 : memref<80x128xf32, #tpu.memory_space<vmem_shared>>)
      tpu.yield
    }) : () -> ()
    %add3A_76 = arith.constant 632 : i32
    %add3A_77 = arith.addi %mul3A_56, %add3A_76 : i32
    %sub3A = arith.constant 72 : i32
    %sub3A_78 = arith.subi %add3A_77, %sub3A : i32
    "tpu.region"() ({
      %run_scoped3A = tpu.sem_alloc : memref<!tpu.dma_semaphore, #tpu.memory_space<semaphore_mem>>
      %dma_start3A_220 = arith.constant 80 : i32
      %dma_start3A_221 = arith.constant 0 : i32
      %dma_start3A_222 = tpu.memref_slice %arg17[%dma_start3A_220, %dma_start3A_221] : memref<160x128xf32, #tpu.memory_space<vmem>> -> memref<72x128xf32, #tpu.memory_space<vmem>>
      %dma_start3A_223 = arith.constant 0 : i32
      %dma_start3A_224 = tpu.memref_slice %arg10[%sub3A_78, %dma_start3A_223] : memref<10112x128xf32, #tpu.memory_space<vmem_shared>> -> memref<72x128xf32, #tpu.memory_space<vmem_shared>>
      %dma_start3A_225 = arith.constant 0 : i32
      %dma_start3A_226 = tpu.memref_slice %arg10[%sub3A_78, %dma_start3A_225] : memref<10112x128xf32, #tpu.memory_space<vmem_shared>> -> memref<72x128xf32, #tpu.memory_space<vmem_shared>>
      %dma_start3A_227 = arith.constant 80 : i32
      %dma_start3A_228 = arith.constant 0 : i32
      %dma_start3A_229 = tpu.memref_slice %arg17[%dma_start3A_227, %dma_start3A_228] : memref<160x128xf32, #tpu.memory_space<vmem>> -> memref<72x128xf32, #tpu.memory_space<vmem>>
      tpu.enqueue_dma source(%dma_start3A_229 : memref<72x128xf32, #tpu.memory_space<vmem>>) target(%dma_start3A_226 : memref<72x128xf32, #tpu.memory_space<vmem_shared>>) target_semaphore(%run_scoped3A : memref<!tpu.dma_semaphore, #tpu.memory_space<semaphore_mem>>)
      %dma_wait3A_230 = arith.constant 80 : i32
      %dma_wait3A_231 = arith.constant 0 : i32
      %dma_wait3A_232 = tpu.memref_slice %arg17[%dma_wait3A_230, %dma_wait3A_231] : memref<160x128xf32, #tpu.memory_space<vmem>> -> memref<72x128xf32, #tpu.memory_space<vmem>>
      %dma_wait3A_233 = arith.constant 0 : i32
      %dma_wait3A_234 = tpu.memref_slice %arg10[%sub3A_78, %dma_wait3A_233] : memref<10112x128xf32, #tpu.memory_space<vmem_shared>> -> memref<72x128xf32, #tpu.memory_space<vmem_shared>>
      %dma_wait3A_235 = arith.constant 0 : i32
      %dma_wait3A_236 = tpu.memref_slice %arg10[%sub3A_78, %dma_wait3A_235] : memref<10112x128xf32, #tpu.memory_space<vmem_shared>> -> memref<72x128xf32, #tpu.memory_space<vmem_shared>>
      %dma_wait3A_237 = arith.constant 80 : i32
      %dma_wait3A_238 = arith.constant 0 : i32
      %dma_wait3A_239 = tpu.memref_slice %arg17[%dma_wait3A_237, %dma_wait3A_238] : memref<160x128xf32, #tpu.memory_space<vmem>> -> memref<72x128xf32, #tpu.memory_space<vmem>>
      tpu.wait_dma2 semaphore(%run_scoped3A : memref<!tpu.dma_semaphore, #tpu.memory_space<semaphore_mem>>) src(%dma_wait3A_239 : memref<72x128xf32, #tpu.memory_space<vmem>>) dst(%dma_wait3A_236 : memref<72x128xf32, #tpu.memory_space<vmem_shared>>)
      tpu.yield
    }) : () -> ()
    %add3A_79 = arith.constant 0 : i32
    %add3A_80 = arith.addi %mul3A_56, %add3A_79 : i32
    "tpu.region"() ({
      %run_scoped3A = tpu.sem_alloc : memref<!tpu.dma_semaphore, #tpu.memory_space<semaphore_mem>>
      %dma_start3A_220 = arith.constant 0 : i32
      %dma_start3A_221 = arith.constant 0 : i32
      %dma_start3A_222 = tpu.memref_slice %arg14[%dma_start3A_220, %dma_start3A_221] : memref<160x16xf32, #tpu.memory_space<vmem>> -> memref<160x16xf32, #tpu.memory_space<vmem>>
      %dma_start3A_223 = arith.constant 0 : i32
      %dma_start3A_224 = tpu.memref_slice %arg11[%add3A_80, %dma_start3A_223] : memref<10112x16xf32, #tpu.memory_space<vmem_shared>> -> memref<160x16xf32, #tpu.memory_space<vmem_shared>>
      %dma_start3A_225 = arith.constant 0 : i32
      %dma_start3A_226 = tpu.memref_slice %arg11[%add3A_80, %dma_start3A_225] : memref<10112x16xf32, #tpu.memory_space<vmem_shared>> -> memref<160x16xf32, #tpu.memory_space<vmem_shared>>
      %dma_start3A_227 = arith.constant 0 : i32
      %dma_start3A_228 = arith.constant 0 : i32
      %dma_start3A_229 = tpu.memref_slice %arg14[%dma_start3A_227, %dma_start3A_228] : memref<160x16xf32, #tpu.memory_space<vmem>> -> memref<160x16xf32, #tpu.memory_space<vmem>>
      tpu.enqueue_dma source(%dma_start3A_229 : memref<160x16xf32, #tpu.memory_space<vmem>>) target(%dma_start3A_226 : memref<160x16xf32, #tpu.memory_space<vmem_shared>>) target_semaphore(%run_scoped3A : memref<!tpu.dma_semaphore, #tpu.memory_space<semaphore_mem>>)
      %dma_wait3A_230 = arith.constant 0 : i32
      %dma_wait3A_231 = arith.constant 0 : i32
      %dma_wait3A_232 = tpu.memref_slice %arg14[%dma_wait3A_230, %dma_wait3A_231] : memref<160x16xf32, #tpu.memory_space<vmem>> -> memref<160x16xf32, #tpu.memory_space<vmem>>
      %dma_wait3A_233 = arith.constant 0 : i32
      %dma_wait3A_234 = tpu.memref_slice %arg11[%add3A_80, %dma_wait3A_233] : memref<10112x16xf32, #tpu.memory_space<vmem_shared>> -> memref<160x16xf32, #tpu.memory_space<vmem_shared>>
      %dma_wait3A_235 = arith.constant 0 : i32
      %dma_wait3A_236 = tpu.memref_slice %arg11[%add3A_80, %dma_wait3A_235] : memref<10112x16xf32, #tpu.memory_space<vmem_shared>> -> memref<160x16xf32, #tpu.memory_space<vmem_shared>>
      %dma_wait3A_237 = arith.constant 0 : i32
      %dma_wait3A_238 = arith.constant 0 : i32
      %dma_wait3A_239 = tpu.memref_slice %arg14[%dma_wait3A_237, %dma_wait3A_238] : memref<160x16xf32, #tpu.memory_space<vmem>> -> memref<160x16xf32, #tpu.memory_space<vmem>>
      tpu.wait_dma2 semaphore(%run_scoped3A : memref<!tpu.dma_semaphore, #tpu.memory_space<semaphore_mem>>) src(%dma_wait3A_239 : memref<160x16xf32, #tpu.memory_space<vmem>>) dst(%dma_wait3A_236 : memref<160x16xf32, #tpu.memory_space<vmem_shared>>)
      tpu.yield
    }) : () -> ()
    %add3A_81 = arith.constant 160 : i32
    %add3A_82 = arith.addi %mul3A_56, %add3A_81 : i32
    "tpu.region"() ({
      %run_scoped3A = tpu.sem_alloc : memref<!tpu.dma_semaphore, #tpu.memory_space<semaphore_mem>>
      %dma_start3A_220 = arith.constant 0 : i32
      %dma_start3A_221 = arith.constant 0 : i32
      %dma_start3A_222 = tpu.memref_slice %arg14[%dma_start3A_220, %dma_start3A_221] : memref<160x16xf32, #tpu.memory_space<vmem>> -> memref<160x16xf32, #tpu.memory_space<vmem>>
      %dma_start3A_223 = arith.constant 0 : i32
      %dma_start3A_224 = tpu.memref_slice %arg11[%add3A_82, %dma_start3A_223] : memref<10112x16xf32, #tpu.memory_space<vmem_shared>> -> memref<160x16xf32, #tpu.memory_space<vmem_shared>>
      %dma_start3A_225 = arith.constant 0 : i32
      %dma_start3A_226 = tpu.memref_slice %arg11[%add3A_82, %dma_start3A_225] : memref<10112x16xf32, #tpu.memory_space<vmem_shared>> -> memref<160x16xf32, #tpu.memory_space<vmem_shared>>
      %dma_start3A_227 = arith.constant 0 : i32
      %dma_start3A_228 = arith.constant 0 : i32
      %dma_start3A_229 = tpu.memref_slice %arg14[%dma_start3A_227, %dma_start3A_228] : memref<160x16xf32, #tpu.memory_space<vmem>> -> memref<160x16xf32, #tpu.memory_space<vmem>>
      tpu.enqueue_dma source(%dma_start3A_229 : memref<160x16xf32, #tpu.memory_space<vmem>>) target(%dma_start3A_226 : memref<160x16xf32, #tpu.memory_space<vmem_shared>>) target_semaphore(%run_scoped3A : memref<!tpu.dma_semaphore, #tpu.memory_space<semaphore_mem>>)
      %dma_wait3A_230 = arith.constant 0 : i32
      %dma_wait3A_231 = arith.constant 0 : i32
      %dma_wait3A_232 = tpu.memref_slice %arg14[%dma_wait3A_230, %dma_wait3A_231] : memref<160x16xf32, #tpu.memory_space<vmem>> -> memref<160x16xf32, #tpu.memory_space<vmem>>
      %dma_wait3A_233 = arith.constant 0 : i32
      %dma_wait3A_234 = tpu.memref_slice %arg11[%add3A_82, %dma_wait3A_233] : memref<10112x16xf32, #tpu.memory_space<vmem_shared>> -> memref<160x16xf32, #tpu.memory_space<vmem_shared>>
      %dma_wait3A_235 = arith.constant 0 : i32
      %dma_wait3A_236 = tpu.memref_slice %arg11[%add3A_82, %dma_wait3A_235] : memref<10112x16xf32, #tpu.memory_space<vmem_shared>> -> memref<160x16xf32, #tpu.memory_space<vmem_shared>>
      %dma_wait3A_237 = arith.constant 0 : i32
      %dma_wait3A_238 = arith.constant 0 : i32
      %dma_wait3A_239 = tpu.memref_slice %arg14[%dma_wait3A_237, %dma_wait3A_238] : memref<160x16xf32, #tpu.memory_space<vmem>> -> memref<160x16xf32, #tpu.memory_space<vmem>>
      tpu.wait_dma2 semaphore(%run_scoped3A : memref<!tpu.dma_semaphore, #tpu.memory_space<semaphore_mem>>) src(%dma_wait3A_239 : memref<160x16xf32, #tpu.memory_space<vmem>>) dst(%dma_wait3A_236 : memref<160x16xf32, #tpu.memory_space<vmem_shared>>)
      tpu.yield
    }) : () -> ()
    %add3A_83 = arith.constant 320 : i32
    %add3A_84 = arith.addi %mul3A_56, %add3A_83 : i32
    "tpu.region"() ({
      %run_scoped3A = tpu.sem_alloc : memref<!tpu.dma_semaphore, #tpu.memory_space<semaphore_mem>>
      %dma_start3A_220 = arith.constant 0 : i32
      %dma_start3A_221 = arith.constant 0 : i32
      %dma_start3A_222 = tpu.memref_slice %arg14[%dma_start3A_220, %dma_start3A_221] : memref<160x16xf32, #tpu.memory_space<vmem>> -> memref<160x16xf32, #tpu.memory_space<vmem>>
      %dma_start3A_223 = arith.constant 0 : i32
      %dma_start3A_224 = tpu.memref_slice %arg11[%add3A_84, %dma_start3A_223] : memref<10112x16xf32, #tpu.memory_space<vmem_shared>> -> memref<160x16xf32, #tpu.memory_space<vmem_shared>>
      %dma_start3A_225 = arith.constant 0 : i32
      %dma_start3A_226 = tpu.memref_slice %arg11[%add3A_84, %dma_start3A_225] : memref<10112x16xf32, #tpu.memory_space<vmem_shared>> -> memref<160x16xf32, #tpu.memory_space<vmem_shared>>
      %dma_start3A_227 = arith.constant 0 : i32
      %dma_start3A_228 = arith.constant 0 : i32
      %dma_start3A_229 = tpu.memref_slice %arg14[%dma_start3A_227, %dma_start3A_228] : memref<160x16xf32, #tpu.memory_space<vmem>> -> memref<160x16xf32, #tpu.memory_space<vmem>>
      tpu.enqueue_dma source(%dma_start3A_229 : memref<160x16xf32, #tpu.memory_space<vmem>>) target(%dma_start3A_226 : memref<160x16xf32, #tpu.memory_space<vmem_shared>>) target_semaphore(%run_scoped3A : memref<!tpu.dma_semaphore, #tpu.memory_space<semaphore_mem>>)
      %dma_wait3A_230 = arith.constant 0 : i32
      %dma_wait3A_231 = arith.constant 0 : i32
      %dma_wait3A_232 = tpu.memref_slice %arg14[%dma_wait3A_230, %dma_wait3A_231] : memref<160x16xf32, #tpu.memory_space<vmem>> -> memref<160x16xf32, #tpu.memory_space<vmem>>
      %dma_wait3A_233 = arith.constant 0 : i32
      %dma_wait3A_234 = tpu.memref_slice %arg11[%add3A_84, %dma_wait3A_233] : memref<10112x16xf32, #tpu.memory_space<vmem_shared>> -> memref<160x16xf32, #tpu.memory_space<vmem_shared>>
      %dma_wait3A_235 = arith.constant 0 : i32
      %dma_wait3A_236 = tpu.memref_slice %arg11[%add3A_84, %dma_wait3A_235] : memref<10112x16xf32, #tpu.memory_space<vmem_shared>> -> memref<160x16xf32, #tpu.memory_space<vmem_shared>>
      %dma_wait3A_237 = arith.constant 0 : i32
      %dma_wait3A_238 = arith.constant 0 : i32
      %dma_wait3A_239 = tpu.memref_slice %arg14[%dma_wait3A_237, %dma_wait3A_238] : memref<160x16xf32, #tpu.memory_space<vmem>> -> memref<160x16xf32, #tpu.memory_space<vmem>>
      tpu.wait_dma2 semaphore(%run_scoped3A : memref<!tpu.dma_semaphore, #tpu.memory_space<semaphore_mem>>) src(%dma_wait3A_239 : memref<160x16xf32, #tpu.memory_space<vmem>>) dst(%dma_wait3A_236 : memref<160x16xf32, #tpu.memory_space<vmem_shared>>)
      tpu.yield
    }) : () -> ()
    %add3A_85 = arith.constant 632 : i32
    %add3A_86 = arith.addi %mul3A_56, %add3A_85 : i32
    %sub3A_87 = arith.constant 152 : i32
    %sub3A_88 = arith.subi %add3A_86, %sub3A_87 : i32
    "tpu.region"() ({
      %run_scoped3A = tpu.sem_alloc : memref<!tpu.dma_semaphore, #tpu.memory_space<semaphore_mem>>
      %dma_start3A_220 = arith.constant 0 : i32
      %dma_start3A_221 = arith.constant 0 : i32
      %dma_start3A_222 = tpu.memref_slice %arg14[%dma_start3A_220, %dma_start3A_221] : memref<160x16xf32, #tpu.memory_space<vmem>> -> memref<152x16xf32, #tpu.memory_space<vmem>>
      %dma_start3A_223 = arith.constant 0 : i32
      %dma_start3A_224 = tpu.memref_slice %arg11[%sub3A_88, %dma_start3A_223] : memref<10112x16xf32, #tpu.memory_space<vmem_shared>> -> memref<152x16xf32, #tpu.memory_space<vmem_shared>>
      %dma_start3A_225 = arith.constant 0 : i32
      %dma_start3A_226 = tpu.memref_slice %arg11[%sub3A_88, %dma_start3A_225] : memref<10112x16xf32, #tpu.memory_space<vmem_shared>> -> memref<152x16xf32, #tpu.memory_space<vmem_shared>>
      %dma_start3A_227 = arith.constant 0 : i32
      %dma_start3A_228 = arith.constant 0 : i32
      %dma_start3A_229 = tpu.memref_slice %arg14[%dma_start3A_227, %dma_start3A_228] : memref<160x16xf32, #tpu.memory_space<vmem>> -> memref<152x16xf32, #tpu.memory_space<vmem>>
      tpu.enqueue_dma source(%dma_start3A_229 : memref<152x16xf32, #tpu.memory_space<vmem>>) target(%dma_start3A_226 : memref<152x16xf32, #tpu.memory_space<vmem_shared>>) target_semaphore(%run_scoped3A : memref<!tpu.dma_semaphore, #tpu.memory_space<semaphore_mem>>)
      %dma_wait3A_230 = arith.constant 0 : i32
      %dma_wait3A_231 = arith.constant 0 : i32
      %dma_wait3A_232 = tpu.memref_slice %arg14[%dma_wait3A_230, %dma_wait3A_231] : memref<160x16xf32, #tpu.memory_space<vmem>> -> memref<152x16xf32, #tpu.memory_space<vmem>>
      %dma_wait3A_233 = arith.constant 0 : i32
      %dma_wait3A_234 = tpu.memref_slice %arg11[%sub3A_88, %dma_wait3A_233] : memref<10112x16xf32, #tpu.memory_space<vmem_shared>> -> memref<152x16xf32, #tpu.memory_space<vmem_shared>>
      %dma_wait3A_235 = arith.constant 0 : i32
      %dma_wait3A_236 = tpu.memref_slice %arg11[%sub3A_88, %dma_wait3A_235] : memref<10112x16xf32, #tpu.memory_space<vmem_shared>> -> memref<152x16xf32, #tpu.memory_space<vmem_shared>>
      %dma_wait3A_237 = arith.constant 0 : i32
      %dma_wait3A_238 = arith.constant 0 : i32
      %dma_wait3A_239 = tpu.memref_slice %arg14[%dma_wait3A_237, %dma_wait3A_238] : memref<160x16xf32, #tpu.memory_space<vmem>> -> memref<152x16xf32, #tpu.memory_space<vmem>>
      tpu.wait_dma2 semaphore(%run_scoped3A : memref<!tpu.dma_semaphore, #tpu.memory_space<semaphore_mem>>) src(%dma_wait3A_239 : memref<152x16xf32, #tpu.memory_space<vmem>>) dst(%dma_wait3A_236 : memref<152x16xf32, #tpu.memory_space<vmem_shared>>)
      tpu.yield
    }) : () -> ()
    %dma_wait3A = arith.constant 0 : i32
    %dma_wait3A_89 = arith.constant 0 : i32
    %dma_wait3A_90 = tpu.memref_slice %arg12[%dma_wait3A, %dma_wait3A_89] : memref<4x80xi32, #tpu.memory_space<vmem>> -> memref<1x80xi32, #tpu.memory_space<vmem>>
    %dma_wait3A_91 = tpu.memref_squeeze %dma_wait3A_90 : memref<1x80xi32, #tpu.memory_space<vmem>> -> memref<80xi32, #tpu.memory_space<vmem>>
    %dma_wait3A_92 = arith.constant 0 : i32
    %dma_wait3A_93 = tpu.memref_slice %arg6[%dma_wait3A_92] : memref<320000xi32, #tpu.memory_space<hbm>> -> memref<80xi32, #tpu.memory_space<hbm>>
    %dma_wait3A_94 = arith.constant 0 : i32
    %dma_wait3A_95 = tpu.memref_slice %arg12[%dma_wait3A, %dma_wait3A_94] : memref<4x80xi32, #tpu.memory_space<vmem>> -> memref<1x80xi32, #tpu.memory_space<vmem>>
    %dma_wait3A_96 = tpu.memref_squeeze %dma_wait3A_95 : memref<1x80xi32, #tpu.memory_space<vmem>> -> memref<80xi32, #tpu.memory_space<vmem>>
    %dma_wait3A_97 = arith.constant 0 : i32
    %dma_wait3A_98 = tpu.memref_slice %arg6[%dma_wait3A_97] : memref<320000xi32, #tpu.memory_space<hbm>> -> memref<80xi32, #tpu.memory_space<hbm>>
    tpu.wait_dma2 semaphore(%arg19 : memref<!tpu.dma_semaphore, #tpu.memory_space<semaphore_mem>>) src(%dma_wait3A_98 : memref<80xi32, #tpu.memory_space<hbm>>) dst(%dma_wait3A_96 : memref<80xi32, #tpu.memory_space<vmem>>)
    %dma_wait3A_99 = arith.constant 0 : i32
    %dma_wait3A_100 = arith.constant 0 : i32
    %dma_wait3A_101 = tpu.memref_slice %arg13[%dma_wait3A_99, %dma_wait3A_100] : memref<4x80xi32, #tpu.memory_space<vmem>> -> memref<1x80xi32, #tpu.memory_space<vmem>>
    %dma_wait3A_102 = tpu.memref_squeeze %dma_wait3A_101 : memref<1x80xi32, #tpu.memory_space<vmem>> -> memref<80xi32, #tpu.memory_space<vmem>>
    %dma_wait3A_103 = arith.constant 0 : i32
    %dma_wait3A_104 = tpu.memref_slice %arg7[%dma_wait3A_103] : memref<320000xi32, #tpu.memory_space<hbm>> -> memref<80xi32, #tpu.memory_space<hbm>>
    %dma_wait3A_105 = arith.constant 0 : i32
    %dma_wait3A_106 = tpu.memref_slice %arg13[%dma_wait3A_99, %dma_wait3A_105] : memref<4x80xi32, #tpu.memory_space<vmem>> -> memref<1x80xi32, #tpu.memory_space<vmem>>
    %dma_wait3A_107 = tpu.memref_squeeze %dma_wait3A_106 : memref<1x80xi32, #tpu.memory_space<vmem>> -> memref<80xi32, #tpu.memory_space<vmem>>
    %dma_wait3A_108 = arith.constant 0 : i32
    %dma_wait3A_109 = tpu.memref_slice %arg7[%dma_wait3A_108] : memref<320000xi32, #tpu.memory_space<hbm>> -> memref<80xi32, #tpu.memory_space<hbm>>
    tpu.wait_dma2 semaphore(%arg19 : memref<!tpu.dma_semaphore, #tpu.memory_space<semaphore_mem>>) src(%dma_wait3A_109 : memref<80xi32, #tpu.memory_space<hbm>>) dst(%dma_wait3A_107 : memref<80xi32, #tpu.memory_space<vmem>>)
    %rem3A_110 = arith.constant 0 : i32
    %rem3A_111 = arith.constant 4 : i32
    %rem3A_112 = arith.remsi %rem3A_110, %rem3A_111 : i32
    %rem3A_113 = arith.constant 0 : i32
    %rem3A_114 = arith.constant 2 : i32
    %rem3A_115 = arith.remsi %rem3A_113, %rem3A_114 : i32
    %mul3A_116 = arith.constant 80 : i32
    %mul3A_117 = arith.muli %rem3A_115, %mul3A_116 : i32
    %dma_start3A_118 = arith.constant 0 : i32
    %dma_start3A_119 = tpu.memref_slice %arg14[%mul3A_117, %dma_start3A_118] : memref<160x16xf32, #tpu.memory_space<vmem>> -> memref<80x16xf32, #tpu.memory_space<vmem>>
    %dma_start3A_120 = arith.constant 0 : i32
    %dma_start3A_121 = tpu.memref_slice %arg12[%rem3A_112, %dma_start3A_120] : memref<4x80xi32, #tpu.memory_space<vmem>> -> memref<1x80xi32, #tpu.memory_space<vmem>>
    %dma_start3A_122 = tpu.memref_squeeze %dma_start3A_121 : memref<1x80xi32, #tpu.memory_space<vmem>> -> memref<80xi32, #tpu.memory_space<vmem>>
    %dma_start3A_123 = arith.constant 0 : i32
    %dma_start3A_124 = arith.constant 0 : i32
    %dma_start3A_125 = tpu.memref_slice %arg3[%dma_start3A_123, %dma_start3A_124] : memref<10000x16xf32, #tpu.memory_space<hbm>> -> memref<10000x16xf32, #tpu.memory_space<hbm>>
    tpu.enqueue_indirect_dma source(%dma_start3A_125 : memref<10000x16xf32, #tpu.memory_space<hbm>>) target(%dma_start3A_119 : memref<80x16xf32, #tpu.memory_space<vmem>>) offsets(%dma_start3A_122 : memref<80xi32, #tpu.memory_space<vmem>>) semaphore(%arg20 : memref<!tpu.dma_semaphore, #tpu.memory_space<semaphore_mem>>)
    %dma_start3A_126 = arith.constant 0 : i32
    %dma_start3A_127 = tpu.memref_slice %arg15[%mul3A_117, %dma_start3A_126] : memref<160x16xf32, #tpu.memory_space<vmem>> -> memref<80x16xf32, #tpu.memory_space<vmem>>
    %dma_start3A_128 = arith.constant 0 : i32
    %dma_start3A_129 = tpu.memref_slice %arg13[%rem3A_112, %dma_start3A_128] : memref<4x80xi32, #tpu.memory_space<vmem>> -> memref<1x80xi32, #tpu.memory_space<vmem>>
    %dma_start3A_130 = tpu.memref_squeeze %dma_start3A_129 : memref<1x80xi32, #tpu.memory_space<vmem>> -> memref<80xi32, #tpu.memory_space<vmem>>
    %dma_start3A_131 = arith.constant 0 : i32
    %dma_start3A_132 = arith.constant 0 : i32
    %dma_start3A_133 = tpu.memref_slice %arg4[%dma_start3A_131, %dma_start3A_132] : memref<10000x16xf32, #tpu.memory_space<hbm>> -> memref<10000x16xf32, #tpu.memory_space<hbm>>
    tpu.enqueue_indirect_dma source(%dma_start3A_133 : memref<10000x16xf32, #tpu.memory_space<hbm>>) target(%dma_start3A_127 : memref<80x16xf32, #tpu.memory_space<vmem>>) offsets(%dma_start3A_130 : memref<80xi32, #tpu.memory_space<vmem>>) semaphore(%arg20 : memref<!tpu.dma_semaphore, #tpu.memory_space<semaphore_mem>>)
    %dma_start3A_134 = arith.constant 0 : i32
    %dma_start3A_135 = tpu.memref_slice %arg16[%mul3A_117, %dma_start3A_134] : memref<160x128xbf16, #tpu.memory_space<vmem>> -> memref<80x128xbf16, #tpu.memory_space<vmem>>
    %dma_start3A_136 = arith.constant 0 : i32
    %dma_start3A_137 = tpu.memref_slice %arg12[%rem3A_112, %dma_start3A_136] : memref<4x80xi32, #tpu.memory_space<vmem>> -> memref<1x80xi32, #tpu.memory_space<vmem>>
    %dma_start3A_138 = tpu.memref_squeeze %dma_start3A_137 : memref<1x80xi32, #tpu.memory_space<vmem>> -> memref<80xi32, #tpu.memory_space<vmem>>
    %dma_start3A_139 = arith.constant 0 : i32
    %dma_start3A_140 = arith.constant 0 : i32
    %dma_start3A_141 = tpu.memref_slice %arg2[%dma_start3A_139, %dma_start3A_140] : memref<10000x128xbf16, #tpu.memory_space<hbm>> -> memref<10000x128xbf16, #tpu.memory_space<hbm>>
    tpu.enqueue_indirect_dma source(%dma_start3A_141 : memref<10000x128xbf16, #tpu.memory_space<hbm>>) target(%dma_start3A_135 : memref<80x128xbf16, #tpu.memory_space<vmem>>) offsets(%dma_start3A_138 : memref<80xi32, #tpu.memory_space<vmem>>) semaphore(%arg20 : memref<!tpu.dma_semaphore, #tpu.memory_space<semaphore_mem>>)
    %barrier3A = arith.constant 0 : index
    tpu.barrier barrier_id(%barrier3A)
    %scan3A = arith.constant 0 : i32
    %scan3A_142 = arith.constant 0 : i32
    %scan3A_143 = arith.constant 125 : i32
    %scan3A_144 = arith.addi %scan3A_142, %scan3A_143 : i32
    %scan3A_145 = arith.constant 1 : i32
    scf.for %scan3A_220 = %scan3A_142 to %scan3A_144 step %scan3A_145  : i32 {
      %dma_wait3A_221 = arith.constant 0 : i32
      %dma_wait3A_222 = arith.constant 0 : i32
      %dma_wait3A_223 = arith.constant 0 : i32
      %dma_wait3A_224 = tpu.memref_slice %arg14[%dma_wait3A_222, %dma_wait3A_223] : memref<160x16xf32, #tpu.memory_space<vmem>> -> memref<80x16xf32, #tpu.memory_space<vmem>>
      %dma_wait3A_225 = arith.constant 0 : i32
      %dma_wait3A_226 = tpu.memref_slice %arg12[%dma_wait3A_221, %dma_wait3A_225] : memref<4x80xi32, #tpu.memory_space<vmem>> -> memref<1x80xi32, #tpu.memory_space<vmem>>
      %dma_wait3A_227 = tpu.memref_squeeze %dma_wait3A_226 : memref<1x80xi32, #tpu.memory_space<vmem>> -> memref<80xi32, #tpu.memory_space<vmem>>
      %dma_wait3A_228 = arith.constant 0 : i32
      %dma_wait3A_229 = arith.constant 0 : i32
      %dma_wait3A_230 = tpu.memref_slice %arg3[%dma_wait3A_228, %dma_wait3A_229] : memref<10000x16xf32, #tpu.memory_space<hbm>> -> memref<10000x16xf32, #tpu.memory_space<hbm>>
      tpu.wait_indirect_dma semaphore(%arg20 : memref<!tpu.dma_semaphore, #tpu.memory_space<semaphore_mem>>) src(%dma_wait3A_230 : memref<10000x16xf32, #tpu.memory_space<hbm>>) dst(%dma_wait3A_224 : memref<80x16xf32, #tpu.memory_space<vmem>>)
      %dma_wait3A_231 = arith.constant 0 : i32
      %dma_wait3A_232 = arith.constant 0 : i32
      %dma_wait3A_233 = arith.constant 0 : i32
      %dma_wait3A_234 = tpu.memref_slice %arg15[%dma_wait3A_232, %dma_wait3A_233] : memref<160x16xf32, #tpu.memory_space<vmem>> -> memref<80x16xf32, #tpu.memory_space<vmem>>
      %dma_wait3A_235 = arith.constant 0 : i32
      %dma_wait3A_236 = tpu.memref_slice %arg13[%dma_wait3A_231, %dma_wait3A_235] : memref<4x80xi32, #tpu.memory_space<vmem>> -> memref<1x80xi32, #tpu.memory_space<vmem>>
      %dma_wait3A_237 = tpu.memref_squeeze %dma_wait3A_236 : memref<1x80xi32, #tpu.memory_space<vmem>> -> memref<80xi32, #tpu.memory_space<vmem>>
      %dma_wait3A_238 = arith.constant 0 : i32
      %dma_wait3A_239 = arith.constant 0 : i32
      %dma_wait3A_240 = tpu.memref_slice %arg4[%dma_wait3A_238, %dma_wait3A_239] : memref<10000x16xf32, #tpu.memory_space<hbm>> -> memref<10000x16xf32, #tpu.memory_space<hbm>>
      tpu.wait_indirect_dma semaphore(%arg20 : memref<!tpu.dma_semaphore, #tpu.memory_space<semaphore_mem>>) src(%dma_wait3A_240 : memref<10000x16xf32, #tpu.memory_space<hbm>>) dst(%dma_wait3A_234 : memref<80x16xf32, #tpu.memory_space<vmem>>)
      %dma_wait3A_241 = arith.constant 0 : i32
      %dma_wait3A_242 = arith.constant 0 : i32
      %dma_wait3A_243 = arith.constant 0 : i32
      %dma_wait3A_244 = tpu.memref_slice %arg16[%dma_wait3A_242, %dma_wait3A_243] : memref<160x128xbf16, #tpu.memory_space<vmem>> -> memref<80x128xbf16, #tpu.memory_space<vmem>>
      %dma_wait3A_245 = arith.constant 0 : i32
      %dma_wait3A_246 = tpu.memref_slice %arg12[%dma_wait3A_241, %dma_wait3A_245] : memref<4x80xi32, #tpu.memory_space<vmem>> -> memref<1x80xi32, #tpu.memory_space<vmem>>
      %dma_wait3A_247 = tpu.memref_squeeze %dma_wait3A_246 : memref<1x80xi32, #tpu.memory_space<vmem>> -> memref<80xi32, #tpu.memory_space<vmem>>
      %dma_wait3A_248 = arith.constant 0 : i32
      %dma_wait3A_249 = arith.constant 0 : i32
      %dma_wait3A_250 = tpu.memref_slice %arg2[%dma_wait3A_248, %dma_wait3A_249] : memref<10000x128xbf16, #tpu.memory_space<hbm>> -> memref<10000x128xbf16, #tpu.memory_space<hbm>>
      tpu.wait_indirect_dma semaphore(%arg20 : memref<!tpu.dma_semaphore, #tpu.memory_space<semaphore_mem>>) src(%dma_wait3A_250 : memref<10000x128xbf16, #tpu.memory_space<hbm>>) dst(%dma_wait3A_244 : memref<80x128xbf16, #tpu.memory_space<vmem>>)
      %dma_wait3A_251 = arith.constant 0 : i32
      %dma_wait3A_252 = arith.constant 0 : i32
      %dma_wait3A_253 = tpu.memref_slice %arg12[%dma_wait3A_251, %dma_wait3A_252] : memref<4x80xi32, #tpu.memory_space<vmem>> -> memref<1x80xi32, #tpu.memory_space<vmem>>
      %dma_wait3A_254 = tpu.memref_squeeze %dma_wait3A_253 : memref<1x80xi32, #tpu.memory_space<vmem>> -> memref<80xi32, #tpu.memory_space<vmem>>
      %dma_wait3A_255 = arith.constant 0 : i32
      %dma_wait3A_256 = tpu.memref_slice %arg6[%dma_wait3A_255] : memref<320000xi32, #tpu.memory_space<hbm>> -> memref<80xi32, #tpu.memory_space<hbm>>
      %dma_wait3A_257 = arith.constant 0 : i32
      %dma_wait3A_258 = tpu.memref_slice %arg12[%dma_wait3A_251, %dma_wait3A_257] : memref<4x80xi32, #tpu.memory_space<vmem>> -> memref<1x80xi32, #tpu.memory_space<vmem>>
      %dma_wait3A_259 = tpu.memref_squeeze %dma_wait3A_258 : memref<1x80xi32, #tpu.memory_space<vmem>> -> memref<80xi32, #tpu.memory_space<vmem>>
      %dma_wait3A_260 = arith.constant 0 : i32
      %dma_wait3A_261 = tpu.memref_slice %arg6[%dma_wait3A_260] : memref<320000xi32, #tpu.memory_space<hbm>> -> memref<80xi32, #tpu.memory_space<hbm>>
      tpu.wait_dma2 semaphore(%arg19 : memref<!tpu.dma_semaphore, #tpu.memory_space<semaphore_mem>>) src(%dma_wait3A_261 : memref<80xi32, #tpu.memory_space<hbm>>) dst(%dma_wait3A_259 : memref<80xi32, #tpu.memory_space<vmem>>)
      %dma_wait3A_262 = arith.constant 0 : i32
      %dma_wait3A_263 = arith.constant 0 : i32
      %dma_wait3A_264 = tpu.memref_slice %arg13[%dma_wait3A_262, %dma_wait3A_263] : memref<4x80xi32, #tpu.memory_space<vmem>> -> memref<1x80xi32, #tpu.memory_space<vmem>>
      %dma_wait3A_265 = tpu.memref_squeeze %dma_wait3A_264 : memref<1x80xi32, #tpu.memory_space<vmem>> -> memref<80xi32, #tpu.memory_space<vmem>>
      %dma_wait3A_266 = arith.constant 0 : i32
      %dma_wait3A_267 = tpu.memref_slice %arg7[%dma_wait3A_266] : memref<320000xi32, #tpu.memory_space<hbm>> -> memref<80xi32, #tpu.memory_space<hbm>>
      %dma_wait3A_268 = arith.constant 0 : i32
      %dma_wait3A_269 = tpu.memref_slice %arg13[%dma_wait3A_262, %dma_wait3A_268] : memref<4x80xi32, #tpu.memory_space<vmem>> -> memref<1x80xi32, #tpu.memory_space<vmem>>
      %dma_wait3A_270 = tpu.memref_squeeze %dma_wait3A_269 : memref<1x80xi32, #tpu.memory_space<vmem>> -> memref<80xi32, #tpu.memory_space<vmem>>
      %dma_wait3A_271 = arith.constant 0 : i32
      %dma_wait3A_272 = tpu.memref_slice %arg7[%dma_wait3A_271] : memref<320000xi32, #tpu.memory_space<hbm>> -> memref<80xi32, #tpu.memory_space<hbm>>
      tpu.wait_dma2 semaphore(%arg19 : memref<!tpu.dma_semaphore, #tpu.memory_space<semaphore_mem>>) src(%dma_wait3A_272 : memref<80xi32, #tpu.memory_space<hbm>>) dst(%dma_wait3A_270 : memref<80xi32, #tpu.memory_space<vmem>>)
      %gt3A = arith.constant 0 : i32
      %gt3A_273 = arith.cmpi sgt, %scan3A_220, %gt3A : i32
      %convert_element_type3A = arith.extui %gt3A_273 : i1 to i32
      %cond3A = arith.constant 0 : i32
      %cond3A_274 = arith.cmpi ne, %convert_element_type3A, %cond3A : i32
      scf.if %cond3A_274 {
        %dma_wait3A_363 = arith.constant 0 : i32
        %dma_wait3A_364 = arith.constant 0 : i32
        %dma_wait3A_365 = arith.constant 0 : i32
        %dma_wait3A_366 = tpu.memref_slice %arg14[%dma_wait3A_364, %dma_wait3A_365] : memref<160x16xf32, #tpu.memory_space<vmem>> -> memref<80x16xf32, #tpu.memory_space<vmem>>
        %dma_wait3A_367 = arith.constant 0 : i32
        %dma_wait3A_368 = tpu.memref_slice %arg13[%dma_wait3A_363, %dma_wait3A_367] : memref<4x80xi32, #tpu.memory_space<vmem>> -> memref<1x80xi32, #tpu.memory_space<vmem>>
        %dma_wait3A_369 = tpu.memref_squeeze %dma_wait3A_368 : memref<1x80xi32, #tpu.memory_space<vmem>> -> memref<80xi32, #tpu.memory_space<vmem>>
        %dma_wait3A_370 = arith.constant 0 : i32
        %dma_wait3A_371 = arith.constant 0 : i32
        %dma_wait3A_372 = tpu.memref_slice %arg11[%dma_wait3A_370, %dma_wait3A_371] : memref<10112x16xf32, #tpu.memory_space<vmem_shared>> -> memref<10112x16xf32, #tpu.memory_space<vmem_shared>>
        tpu.wait_indirect_dma semaphore(%arg21 : memref<!tpu.dma_semaphore, #tpu.memory_space<semaphore_mem>>) src(%dma_wait3A_366 : memref<80x16xf32, #tpu.memory_space<vmem>>) dst(%dma_wait3A_372 : memref<10112x16xf32, #tpu.memory_space<vmem_shared>>)
        %dma_wait3A_373 = arith.constant 0 : i32
        %dma_wait3A_374 = arith.constant 0 : i32
        %dma_wait3A_375 = arith.constant 0 : i32
        %dma_wait3A_376 = tpu.memref_slice %arg17[%dma_wait3A_374, %dma_wait3A_375] : memref<160x128xf32, #tpu.memory_space<vmem>> -> memref<80x128xf32, #tpu.memory_space<vmem>>
        %dma_wait3A_377 = arith.constant 0 : i32
        %dma_wait3A_378 = tpu.memref_slice %arg13[%dma_wait3A_373, %dma_wait3A_377] : memref<4x80xi32, #tpu.memory_space<vmem>> -> memref<1x80xi32, #tpu.memory_space<vmem>>
        %dma_wait3A_379 = tpu.memref_squeeze %dma_wait3A_378 : memref<1x80xi32, #tpu.memory_space<vmem>> -> memref<80xi32, #tpu.memory_space<vmem>>
        %dma_wait3A_380 = arith.constant 0 : i32
        %dma_wait3A_381 = arith.constant 0 : i32
        %dma_wait3A_382 = tpu.memref_slice %arg10[%dma_wait3A_380, %dma_wait3A_381] : memref<10112x128xf32, #tpu.memory_space<vmem_shared>> -> memref<10112x128xf32, #tpu.memory_space<vmem_shared>>
        tpu.wait_indirect_dma semaphore(%arg21 : memref<!tpu.dma_semaphore, #tpu.memory_space<semaphore_mem>>) src(%dma_wait3A_376 : memref<80x128xf32, #tpu.memory_space<vmem>>) dst(%dma_wait3A_382 : memref<10112x128xf32, #tpu.memory_space<vmem_shared>>)
      } else {
      }
      %add3A_275 = arith.constant 1 : i32
      %add3A_276 = arith.addi %scan3A_220, %add3A_275 : i32
      %rem3A_277 = arith.constant 4 : i32
      %rem3A_278 = arith.remsi %add3A_276, %rem3A_277 : i32
      %rem3A_279 = arith.constant 2 : i32
      %rem3A_280 = arith.remsi %add3A_276, %rem3A_279 : i32
      %mul3A_281 = arith.constant 80 : i32
      %mul3A_282 = arith.muli %rem3A_280, %mul3A_281 : i32
      %dma_start3A_283 = arith.constant 0 : i32
      %dma_start3A_284 = tpu.memref_slice %arg14[%mul3A_282, %dma_start3A_283] : memref<160x16xf32, #tpu.memory_space<vmem>> -> memref<80x16xf32, #tpu.memory_space<vmem>>
      %dma_start3A_285 = arith.constant 0 : i32
      %dma_start3A_286 = tpu.memref_slice %arg12[%rem3A_278, %dma_start3A_285] : memref<4x80xi32, #tpu.memory_space<vmem>> -> memref<1x80xi32, #tpu.memory_space<vmem>>
      %dma_start3A_287 = tpu.memref_squeeze %dma_start3A_286 : memref<1x80xi32, #tpu.memory_space<vmem>> -> memref<80xi32, #tpu.memory_space<vmem>>
      %dma_start3A_288 = arith.constant 0 : i32
      %dma_start3A_289 = arith.constant 0 : i32
      %dma_start3A_290 = tpu.memref_slice %arg3[%dma_start3A_288, %dma_start3A_289] : memref<10000x16xf32, #tpu.memory_space<hbm>> -> memref<10000x16xf32, #tpu.memory_space<hbm>>
      tpu.enqueue_indirect_dma source(%dma_start3A_290 : memref<10000x16xf32, #tpu.memory_space<hbm>>) target(%dma_start3A_284 : memref<80x16xf32, #tpu.memory_space<vmem>>) offsets(%dma_start3A_287 : memref<80xi32, #tpu.memory_space<vmem>>) semaphore(%arg20 : memref<!tpu.dma_semaphore, #tpu.memory_space<semaphore_mem>>)
      %dma_start3A_291 = arith.constant 0 : i32
      %dma_start3A_292 = tpu.memref_slice %arg15[%mul3A_282, %dma_start3A_291] : memref<160x16xf32, #tpu.memory_space<vmem>> -> memref<80x16xf32, #tpu.memory_space<vmem>>
      %dma_start3A_293 = arith.constant 0 : i32
      %dma_start3A_294 = tpu.memref_slice %arg13[%rem3A_278, %dma_start3A_293] : memref<4x80xi32, #tpu.memory_space<vmem>> -> memref<1x80xi32, #tpu.memory_space<vmem>>
      %dma_start3A_295 = tpu.memref_squeeze %dma_start3A_294 : memref<1x80xi32, #tpu.memory_space<vmem>> -> memref<80xi32, #tpu.memory_space<vmem>>
      %dma_start3A_296 = arith.constant 0 : i32
      %dma_start3A_297 = arith.constant 0 : i32
      %dma_start3A_298 = tpu.memref_slice %arg4[%dma_start3A_296, %dma_start3A_297] : memref<10000x16xf32, #tpu.memory_space<hbm>> -> memref<10000x16xf32, #tpu.memory_space<hbm>>
      tpu.enqueue_indirect_dma source(%dma_start3A_298 : memref<10000x16xf32, #tpu.memory_space<hbm>>) target(%dma_start3A_292 : memref<80x16xf32, #tpu.memory_space<vmem>>) offsets(%dma_start3A_295 : memref<80xi32, #tpu.memory_space<vmem>>) semaphore(%arg20 : memref<!tpu.dma_semaphore, #tpu.memory_space<semaphore_mem>>)
      %dma_start3A_299 = arith.constant 0 : i32
      %dma_start3A_300 = tpu.memref_slice %arg16[%mul3A_282, %dma_start3A_299] : memref<160x128xbf16, #tpu.memory_space<vmem>> -> memref<80x128xbf16, #tpu.memory_space<vmem>>
      %dma_start3A_301 = arith.constant 0 : i32
      %dma_start3A_302 = tpu.memref_slice %arg12[%rem3A_278, %dma_start3A_301] : memref<4x80xi32, #tpu.memory_space<vmem>> -> memref<1x80xi32, #tpu.memory_space<vmem>>
      %dma_start3A_303 = tpu.memref_squeeze %dma_start3A_302 : memref<1x80xi32, #tpu.memory_space<vmem>> -> memref<80xi32, #tpu.memory_space<vmem>>
      %dma_start3A_304 = arith.constant 0 : i32
      %dma_start3A_305 = arith.constant 0 : i32
      %dma_start3A_306 = tpu.memref_slice %arg2[%dma_start3A_304, %dma_start3A_305] : memref<10000x128xbf16, #tpu.memory_space<hbm>> -> memref<10000x128xbf16, #tpu.memory_space<hbm>>
      tpu.enqueue_indirect_dma source(%dma_start3A_306 : memref<10000x128xbf16, #tpu.memory_space<hbm>>) target(%dma_start3A_300 : memref<80x128xbf16, #tpu.memory_space<vmem>>) offsets(%dma_start3A_303 : memref<80xi32, #tpu.memory_space<vmem>>) semaphore(%arg20 : memref<!tpu.dma_semaphore, #tpu.memory_space<semaphore_mem>>)
      %rem3A_307 = arith.constant 2 : i32
      %rem3A_308 = arith.remsi %scan3A_220, %rem3A_307 : i32
      %mul3A_309 = arith.constant 80 : i32
      %mul3A_310 = arith.muli %rem3A_308, %mul3A_309 : i32
      %parallel_loop3A_311 = arith.constant 0 : i32
      %parallel_loop3A_312 = arith.constant 80 : i32
      %parallel_loop3A_313 = arith.constant 1 : i32
      scf.for %parallel_loop3A_363 = %parallel_loop3A_311 to %parallel_loop3A_312 step %parallel_loop3A_313  : i32 {
        %parallel_loop3A_364 = arith.addi %mul3A_310, %parallel_loop3A_363 : i32
        %parallel_loop3A_365 = arith.index_cast %parallel_loop3A_364 : i32 to index
        %parallel_loop3A_366 = arith.constant 0 : index
        %parallel_loop3A_367 = tpu.vector_load %arg14[%parallel_loop3A_365, %parallel_loop3A_366] {strides = array<i32>} : memref<160x16xf32, #tpu.memory_space<vmem>>, vector<1x16xf32>,
        %parallel_loop3A_368 = vector.shape_cast %parallel_loop3A_367 : vector<1x16xf32> to vector<16xf32>
        %parallel_loop3A_369 = arith.index_cast %parallel_loop3A_364 : i32 to index
        %parallel_loop3A_370 = arith.constant 0 : index
        %parallel_loop3A_371 = tpu.vector_load %arg15[%parallel_loop3A_369, %parallel_loop3A_370] {strides = array<i32>} : memref<160x16xf32, #tpu.memory_space<vmem>>, vector<1x16xf32>,
        %parallel_loop3A_372 = vector.shape_cast %parallel_loop3A_371 : vector<1x16xf32> to vector<16xf32>
        %parallel_loop3A_373 = arith.addf %parallel_loop3A_368, %parallel_loop3A_372 : vector<16xf32>
        %parallel_loop3A_374 = arith.constant 2.000000e-01 : f32
        %parallel_loop3A_375 = vector.broadcast %parallel_loop3A_374 : f32 to vector<16xf32>
        %parallel_loop3A_376 = arith.mulf %parallel_loop3A_375, %parallel_loop3A_373 : vector<16xf32>
        %parallel_loop3A_377 = arith.maximumf %parallel_loop3A_373, %parallel_loop3A_376 : vector<16xf32>
        %parallel_loop3A_378 = arith.subf %parallel_loop3A_377, %get3A_2 : vector<16xf32>
        %parallel_loop3A_379 = math.exp %parallel_loop3A_378 : vector<16xf32>
        %parallel_loop3A_380 = arith.index_cast %parallel_loop3A_364 : i32 to index
        %parallel_loop3A_381 = arith.constant 0 : index
        %parallel_loop3A_382 = tpu.vector_load %arg14[%parallel_loop3A_380, %parallel_loop3A_381] {strides = array<i32>} : memref<160x16xf32, #tpu.memory_space<vmem>>, vector<1x16xf32>,
        %parallel_loop3A_383 = vector.shape_cast %parallel_loop3A_382 : vector<1x16xf32> to vector<16xf32>
        %parallel_loop3A_384 = vector.shape_cast %parallel_loop3A_379 : vector<16xf32> to vector<1x16xf32>
        tpu.vector_store %arg14[%parallel_loop3A_380, %parallel_loop3A_381], %parallel_loop3A_384 {strides = array<i32>} : memref<160x16xf32, #tpu.memory_space<vmem>>, vector<1x16xf32>,
        %parallel_loop3A_385 = arith.index_cast %parallel_loop3A_364 : i32 to index
        %parallel_loop3A_386 = arith.constant 0 : index
        %parallel_loop3A_387 = tpu.vector_load %arg16[%parallel_loop3A_385, %parallel_loop3A_386] {strides = array<i32>} : memref<160x128xbf16, #tpu.memory_space<vmem>>, vector<1x16xbf16>,
        %parallel_loop3A_388 = vector.shape_cast %parallel_loop3A_387 : vector<1x16xbf16> to vector<16xbf16>
        %parallel_loop3A_389 = arith.extf %parallel_loop3A_388 : vector<16xbf16> to vector<16xf32>
        %parallel_loop3A_390 = arith.mulf %parallel_loop3A_379, %parallel_loop3A_389 : vector<16xf32>
        %parallel_loop3A_391 = arith.index_cast %parallel_loop3A_364 : i32 to index
        %parallel_loop3A_392 = arith.constant 0 : index
        %parallel_loop3A_393 = tpu.vector_load %arg17[%parallel_loop3A_391, %parallel_loop3A_392] {strides = array<i32>} : memref<160x128xf32, #tpu.memory_space<vmem>>, vector<1x16xf32>,
        %parallel_loop3A_394 = vector.shape_cast %parallel_loop3A_393 : vector<1x16xf32> to vector<16xf32>
        %parallel_loop3A_395 = vector.shape_cast %parallel_loop3A_390 : vector<16xf32> to vector<1x16xf32>
        tpu.vector_store %arg17[%parallel_loop3A_391, %parallel_loop3A_392], %parallel_loop3A_395 {strides = array<i32>} : memref<160x128xf32, #tpu.memory_space<vmem>>, vector<1x16xf32>,
        %parallel_loop3A_396 = arith.index_cast %parallel_loop3A_364 : i32 to index
        %parallel_loop3A_397 = arith.constant 16 : index
        %parallel_loop3A_398 = tpu.vector_load %arg16[%parallel_loop3A_396, %parallel_loop3A_397] {strides = array<i32>} : memref<160x128xbf16, #tpu.memory_space<vmem>>, vector<1x16xbf16>,
        %parallel_loop3A_399 = vector.shape_cast %parallel_loop3A_398 : vector<1x16xbf16> to vector<16xbf16>
        %parallel_loop3A_400 = arith.extf %parallel_loop3A_399 : vector<16xbf16> to vector<16xf32>
        %parallel_loop3A_401 = arith.mulf %parallel_loop3A_379, %parallel_loop3A_400 : vector<16xf32>
        %parallel_loop3A_402 = arith.index_cast %parallel_loop3A_364 : i32 to index
        %parallel_loop3A_403 = arith.constant 16 : index
        %parallel_loop3A_404 = tpu.vector_load %arg17[%parallel_loop3A_402, %parallel_loop3A_403] {strides = array<i32>} : memref<160x128xf32, #tpu.memory_space<vmem>>, vector<1x16xf32>,
        %parallel_loop3A_405 = vector.shape_cast %parallel_loop3A_404 : vector<1x16xf32> to vector<16xf32>
        %parallel_loop3A_406 = vector.shape_cast %parallel_loop3A_401 : vector<16xf32> to vector<1x16xf32>
        tpu.vector_store %arg17[%parallel_loop3A_402, %parallel_loop3A_403], %parallel_loop3A_406 {strides = array<i32>} : memref<160x128xf32, #tpu.memory_space<vmem>>, vector<1x16xf32>,
        %parallel_loop3A_407 = arith.index_cast %parallel_loop3A_364 : i32 to index
        %parallel_loop3A_408 = arith.constant 32 : index
        %parallel_loop3A_409 = tpu.vector_load %arg16[%parallel_loop3A_407, %parallel_loop3A_408] {strides = array<i32>} : memref<160x128xbf16, #tpu.memory_space<vmem>>, vector<1x16xbf16>,
        %parallel_loop3A_410 = vector.shape_cast %parallel_loop3A_409 : vector<1x16xbf16> to vector<16xbf16>
        %parallel_loop3A_411 = arith.extf %parallel_loop3A_410 : vector<16xbf16> to vector<16xf32>
        %parallel_loop3A_412 = arith.mulf %parallel_loop3A_379, %parallel_loop3A_411 : vector<16xf32>
        %parallel_loop3A_413 = arith.index_cast %parallel_loop3A_364 : i32 to index
        %parallel_loop3A_414 = arith.constant 32 : index
        %parallel_loop3A_415 = tpu.vector_load %arg17[%parallel_loop3A_413, %parallel_loop3A_414] {strides = array<i32>} : memref<160x128xf32, #tpu.memory_space<vmem>>, vector<1x16xf32>,
        %parallel_loop3A_416 = vector.shape_cast %parallel_loop3A_415 : vector<1x16xf32> to vector<16xf32>
        %parallel_loop3A_417 = vector.shape_cast %parallel_loop3A_412 : vector<16xf32> to vector<1x16xf32>
        tpu.vector_store %arg17[%parallel_loop3A_413, %parallel_loop3A_414], %parallel_loop3A_417 {strides = array<i32>} : memref<160x128xf32, #tpu.memory_space<vmem>>, vector<1x16xf32>,
        %parallel_loop3A_418 = arith.index_cast %parallel_loop3A_364 : i32 to index
        %parallel_loop3A_419 = arith.constant 48 : index
        %parallel_loop3A_420 = tpu.vector_load %arg16[%parallel_loop3A_418, %parallel_loop3A_419] {strides = array<i32>} : memref<160x128xbf16, #tpu.memory_space<vmem>>, vector<1x16xbf16>,
        %parallel_loop3A_421 = vector.shape_cast %parallel_loop3A_420 : vector<1x16xbf16> to vector<16xbf16>
        %parallel_loop3A_422 = arith.extf %parallel_loop3A_421 : vector<16xbf16> to vector<16xf32>
        %parallel_loop3A_423 = arith.mulf %parallel_loop3A_379, %parallel_loop3A_422 : vector<16xf32>
        %parallel_loop3A_424 = arith.index_cast %parallel_loop3A_364 : i32 to index
        %parallel_loop3A_425 = arith.constant 48 : index
        %parallel_loop3A_426 = tpu.vector_load %arg17[%parallel_loop3A_424, %parallel_loop3A_425] {strides = array<i32>} : memref<160x128xf32, #tpu.memory_space<vmem>>, vector<1x16xf32>,
        %parallel_loop3A_427 = vector.shape_cast %parallel_loop3A_426 : vector<1x16xf32> to vector<16xf32>
        %parallel_loop3A_428 = vector.shape_cast %parallel_loop3A_423 : vector<16xf32> to vector<1x16xf32>
        tpu.vector_store %arg17[%parallel_loop3A_424, %parallel_loop3A_425], %parallel_loop3A_428 {strides = array<i32>} : memref<160x128xf32, #tpu.memory_space<vmem>>, vector<1x16xf32>,
        %parallel_loop3A_429 = arith.index_cast %parallel_loop3A_364 : i32 to index
        %parallel_loop3A_430 = arith.constant 64 : index
        %parallel_loop3A_431 = tpu.vector_load %arg16[%parallel_loop3A_429, %parallel_loop3A_430] {strides = array<i32>} : memref<160x128xbf16, #tpu.memory_space<vmem>>, vector<1x16xbf16>,
        %parallel_loop3A_432 = vector.shape_cast %parallel_loop3A_431 : vector<1x16xbf16> to vector<16xbf16>
        %parallel_loop3A_433 = arith.extf %parallel_loop3A_432 : vector<16xbf16> to vector<16xf32>
        %parallel_loop3A_434 = arith.mulf %parallel_loop3A_379, %parallel_loop3A_433 : vector<16xf32>
        %parallel_loop3A_435 = arith.index_cast %parallel_loop3A_364 : i32 to index
        %parallel_loop3A_436 = arith.constant 64 : index
        %parallel_loop3A_437 = tpu.vector_load %arg17[%parallel_loop3A_435, %parallel_loop3A_436] {strides = array<i32>} : memref<160x128xf32, #tpu.memory_space<vmem>>, vector<1x16xf32>,
        %parallel_loop3A_438 = vector.shape_cast %parallel_loop3A_437 : vector<1x16xf32> to vector<16xf32>
        %parallel_loop3A_439 = vector.shape_cast %parallel_loop3A_434 : vector<16xf32> to vector<1x16xf32>
        tpu.vector_store %arg17[%parallel_loop3A_435, %parallel_loop3A_436], %parallel_loop3A_439 {strides = array<i32>} : memref<160x128xf32, #tpu.memory_space<vmem>>, vector<1x16xf32>,
        %parallel_loop3A_440 = arith.index_cast %parallel_loop3A_364 : i32 to index
        %parallel_loop3A_441 = arith.constant 80 : index
        %parallel_loop3A_442 = tpu.vector_load %arg16[%parallel_loop3A_440, %parallel_loop3A_441] {strides = array<i32>} : memref<160x128xbf16, #tpu.memory_space<vmem>>, vector<1x16xbf16>,
        %parallel_loop3A_443 = vector.shape_cast %parallel_loop3A_442 : vector<1x16xbf16> to vector<16xbf16>
        %parallel_loop3A_444 = arith.extf %parallel_loop3A_443 : vector<16xbf16> to vector<16xf32>
        %parallel_loop3A_445 = arith.mulf %parallel_loop3A_379, %parallel_loop3A_444 : vector<16xf32>
        %parallel_loop3A_446 = arith.index_cast %parallel_loop3A_364 : i32 to index
        %parallel_loop3A_447 = arith.constant 80 : index
        %parallel_loop3A_448 = tpu.vector_load %arg17[%parallel_loop3A_446, %parallel_loop3A_447] {strides = array<i32>} : memref<160x128xf32, #tpu.memory_space<vmem>>, vector<1x16xf32>,
        %parallel_loop3A_449 = vector.shape_cast %parallel_loop3A_448 : vector<1x16xf32> to vector<16xf32>
        %parallel_loop3A_450 = vector.shape_cast %parallel_loop3A_445 : vector<16xf32> to vector<1x16xf32>
        tpu.vector_store %arg17[%parallel_loop3A_446, %parallel_loop3A_447], %parallel_loop3A_450 {strides = array<i32>} : memref<160x128xf32, #tpu.memory_space<vmem>>, vector<1x16xf32>,
        %parallel_loop3A_451 = arith.index_cast %parallel_loop3A_364 : i32 to index
        %parallel_loop3A_452 = arith.constant 96 : index
        %parallel_loop3A_453 = tpu.vector_load %arg16[%parallel_loop3A_451, %parallel_loop3A_452] {strides = array<i32>} : memref<160x128xbf16, #tpu.memory_space<vmem>>, vector<1x16xbf16>,
        %parallel_loop3A_454 = vector.shape_cast %parallel_loop3A_453 : vector<1x16xbf16> to vector<16xbf16>
        %parallel_loop3A_455 = arith.extf %parallel_loop3A_454 : vector<16xbf16> to vector<16xf32>
        %parallel_loop3A_456 = arith.mulf %parallel_loop3A_379, %parallel_loop3A_455 : vector<16xf32>
        %parallel_loop3A_457 = arith.index_cast %parallel_loop3A_364 : i32 to index
        %parallel_loop3A_458 = arith.constant 96 : index
        %parallel_loop3A_459 = tpu.vector_load %arg17[%parallel_loop3A_457, %parallel_loop3A_458] {strides = array<i32>} : memref<160x128xf32, #tpu.memory_space<vmem>>, vector<1x16xf32>,
        %parallel_loop3A_460 = vector.shape_cast %parallel_loop3A_459 : vector<1x16xf32> to vector<16xf32>
        %parallel_loop3A_461 = vector.shape_cast %parallel_loop3A_456 : vector<16xf32> to vector<1x16xf32>
        tpu.vector_store %arg17[%parallel_loop3A_457, %parallel_loop3A_458], %parallel_loop3A_461 {strides = array<i32>} : memref<160x128xf32, #tpu.memory_space<vmem>>, vector<1x16xf32>,
        %parallel_loop3A_462 = arith.index_cast %parallel_loop3A_364 : i32 to index
        %parallel_loop3A_463 = arith.constant 112 : index
        %parallel_loop3A_464 = tpu.vector_load %arg16[%parallel_loop3A_462, %parallel_loop3A_463] {strides = array<i32>} : memref<160x128xbf16, #tpu.memory_space<vmem>>, vector<1x16xbf16>,
        %parallel_loop3A_465 = vector.shape_cast %parallel_loop3A_464 : vector<1x16xbf16> to vector<16xbf16>
        %parallel_loop3A_466 = arith.extf %parallel_loop3A_465 : vector<16xbf16> to vector<16xf32>
        %parallel_loop3A_467 = arith.mulf %parallel_loop3A_379, %parallel_loop3A_466 : vector<16xf32>
        %parallel_loop3A_468 = arith.index_cast %parallel_loop3A_364 : i32 to index
        %parallel_loop3A_469 = arith.constant 112 : index
        %parallel_loop3A_470 = tpu.vector_load %arg17[%parallel_loop3A_468, %parallel_loop3A_469] {strides = array<i32>} : memref<160x128xf32, #tpu.memory_space<vmem>>, vector<1x16xf32>,
        %parallel_loop3A_471 = vector.shape_cast %parallel_loop3A_470 : vector<1x16xf32> to vector<16xf32>
        %parallel_loop3A_472 = vector.shape_cast %parallel_loop3A_467 : vector<16xf32> to vector<1x16xf32>
        tpu.vector_store %arg17[%parallel_loop3A_468, %parallel_loop3A_469], %parallel_loop3A_472 {strides = array<i32>} : memref<160x128xf32, #tpu.memory_space<vmem>>, vector<1x16xf32>,
      } {sc.loop_unroll_factor = 4 : i64, sc.parallel_access}
      %rem3A_314 = arith.constant 4 : i32
      %rem3A_315 = arith.remsi %scan3A_220, %rem3A_314 : i32
      %rem3A_316 = arith.constant 2 : i32
      %rem3A_317 = arith.remsi %scan3A_220, %rem3A_316 : i32
      %mul3A_318 = arith.constant 80 : i32
      %mul3A_319 = arith.muli %rem3A_317, %mul3A_318 : i32
      %dma_start3A_320 = arith.constant 0 : i32
      %dma_start3A_321 = tpu.memref_slice %arg14[%mul3A_319, %dma_start3A_320] : memref<160x16xf32, #tpu.memory_space<vmem>> -> memref<80x16xf32, #tpu.memory_space<vmem>>
      %dma_start3A_322 = arith.constant 0 : i32
      %dma_start3A_323 = tpu.memref_slice %arg13[%rem3A_315, %dma_start3A_322] : memref<4x80xi32, #tpu.memory_space<vmem>> -> memref<1x80xi32, #tpu.memory_space<vmem>>
      %dma_start3A_324 = tpu.memref_squeeze %dma_start3A_323 : memref<1x80xi32, #tpu.memory_space<vmem>> -> memref<80xi32, #tpu.memory_space<vmem>>
      %dma_start3A_325 = arith.constant 0 : i32
      %dma_start3A_326 = arith.constant 0 : i32
      %dma_start3A_327 = tpu.memref_slice %arg11[%dma_start3A_325, %dma_start3A_326] : memref<10112x16xf32, #tpu.memory_space<vmem_shared>> -> memref<10112x16xf32, #tpu.memory_space<vmem_shared>>
      tpu.enqueue_indirect_dma source(%dma_start3A_321 : memref<80x16xf32, #tpu.memory_space<vmem>>) target(%dma_start3A_327 : memref<10112x16xf32, #tpu.memory_space<vmem_shared>>) offsets(%dma_start3A_324 : memref<80xi32, #tpu.memory_space<vmem>>) semaphore(%arg21 : memref<!tpu.dma_semaphore, #tpu.memory_space<semaphore_mem>>) {add = true}
      %dma_start3A_328 = arith.constant 0 : i32
      %dma_start3A_329 = tpu.memref_slice %arg17[%mul3A_319, %dma_start3A_328] : memref<160x128xf32, #tpu.memory_space<vmem>> -> memref<80x128xf32, #tpu.memory_space<vmem>>
      %dma_start3A_330 = arith.constant 0 : i32
      %dma_start3A_331 = tpu.memref_slice %arg13[%rem3A_315, %dma_start3A_330] : memref<4x80xi32, #tpu.memory_space<vmem>> -> memref<1x80xi32, #tpu.memory_space<vmem>>
      %dma_start3A_332 = tpu.memref_squeeze %dma_start3A_331 : memref<1x80xi32, #tpu.memory_space<vmem>> -> memref<80xi32, #tpu.memory_space<vmem>>
      %dma_start3A_333 = arith.constant 0 : i32
      %dma_start3A_334 = arith.constant 0 : i32
      %dma_start3A_335 = tpu.memref_slice %arg10[%dma_start3A_333, %dma_start3A_334] : memref<10112x128xf32, #tpu.memory_space<vmem_shared>> -> memref<10112x128xf32, #tpu.memory_space<vmem_shared>>
      tpu.enqueue_indirect_dma source(%dma_start3A_329 : memref<80x128xf32, #tpu.memory_space<vmem>>) target(%dma_start3A_335 : memref<10112x128xf32, #tpu.memory_space<vmem_shared>>) offsets(%dma_start3A_332 : memref<80xi32, #tpu.memory_space<vmem>>) semaphore(%arg21 : memref<!tpu.dma_semaphore, #tpu.memory_space<semaphore_mem>>) {add = true}
      %add3A_336 = arith.constant 2 : i32
      %add3A_337 = arith.addi %scan3A_220, %add3A_336 : i32
      %rem3A_338 = arith.constant 4 : i32
      %rem3A_339 = arith.remsi %add3A_337, %rem3A_338 : i32
      %min3A_340 = arith.constant 124 : i32
      %min3A_341 = arith.minsi %add3A_337, %min3A_340 : i32
      %mul3A_342 = arith.constant 32 : i32
      %mul3A_343 = arith.muli %min3A_341, %mul3A_342 : i32
      %add3A_344 = arith.addi %mul3A_343, %add3A : i32
      %mul3A_345 = arith.constant 80 : i32
      %mul3A_346 = arith.muli %add3A_344, %mul3A_345 : i32
      %dma_start3A_347 = arith.constant 0 : i32
      %dma_start3A_348 = tpu.memref_slice %arg12[%rem3A_339, %dma_start3A_347] : memref<4x80xi32, #tpu.memory_space<vmem>> -> memref<1x80xi32, #tpu.memory_space<vmem>>
      %dma_start3A_349 = tpu.memref_squeeze %dma_start3A_348 : memref<1x80xi32, #tpu.memory_space<vmem>> -> memref<80xi32, #tpu.memory_space<vmem>>
      %dma_start3A_350 = tpu.memref_slice %arg6[%mul3A_346] : memref<320000xi32, #tpu.memory_space<hbm>> -> memref<80xi32, #tpu.memory_space<hbm>>
      %dma_start3A_351 = arith.constant 0 : i32
      %dma_start3A_352 = tpu.memref_slice %arg12[%rem3A_339, %dma_start3A_351] : memref<4x80xi32, #tpu.memory_space<vmem>> -> memref<1x80xi32, #tpu.memory_space<vmem>>
      %dma_start3A_353 = tpu.memref_squeeze %dma_start3A_352 : memref<1x80xi32, #tpu.memory_space<vmem>> -> memref<80xi32, #tpu.memory_space<vmem>>
      %dma_start3A_354 = tpu.memref_slice %arg6[%mul3A_346] : memref<320000xi32, #tpu.memory_space<hbm>> -> memref<80xi32, #tpu.memory_space<hbm>>
      tpu.enqueue_dma source(%dma_start3A_354 : memref<80xi32, #tpu.memory_space<hbm>>) target(%dma_start3A_353 : memref<80xi32, #tpu.memory_space<vmem>>) target_semaphore(%arg19 : memref<!tpu.dma_semaphore, #tpu.memory_space<semaphore_mem>>)
      %dma_start3A_355 = arith.constant 0 : i32
      %dma_start3A_356 = tpu.memref_slice %arg13[%rem3A_339, %dma_start3A_355] : memref<4x80xi32, #tpu.memory_space<vmem>> -> memref<1x80xi32, #tpu.memory_space<vmem>>
      %dma_start3A_357 = tpu.memref_squeeze %dma_start3A_356 : memref<1x80xi32, #tpu.memory_space<vmem>> -> memref<80xi32, #tpu.memory_space<vmem>>
      %dma_start3A_358 = tpu.memref_slice %arg7[%mul3A_346] : memref<320000xi32, #tpu.memory_space<hbm>> -> memref<80xi32, #tpu.memory_space<hbm>>
      %dma_start3A_359 = arith.constant 0 : i32
      %dma_start3A_360 = tpu.memref_slice %arg13[%rem3A_339, %dma_start3A_359] : memref<4x80xi32, #tpu.memory_space<vmem>> -> memref<1x80xi32, #tpu.memory_space<vmem>>
      %dma_start3A_361 = tpu.memref_squeeze %dma_start3A_360 : memref<1x80xi32, #tpu.memory_space<vmem>> -> memref<80xi32, #tpu.memory_space<vmem>>
      %dma_start3A_362 = tpu.memref_slice %arg7[%mul3A_346] : memref<320000xi32, #tpu.memory_space<hbm>> -> memref<80xi32, #tpu.memory_space<hbm>>
      tpu.enqueue_dma source(%dma_start3A_362 : memref<80xi32, #tpu.memory_space<hbm>>) target(%dma_start3A_361 : memref<80xi32, #tpu.memory_space<vmem>>) target_semaphore(%arg19 : memref<!tpu.dma_semaphore, #tpu.memory_space<semaphore_mem>>)
    }
    %scan3A_146 = arith.constant 125 : i32
    %dma_wait3A_147 = arith.constant 0 : i32
    %dma_wait3A_148 = arith.constant 0 : i32
    %dma_wait3A_149 = arith.constant 0 : i32
    %dma_wait3A_150 = tpu.memref_slice %arg14[%dma_wait3A_148, %dma_wait3A_149] : memref<160x16xf32, #tpu.memory_space<vmem>> -> memref<80x16xf32, #tpu.memory_space<vmem>>
    %dma_wait3A_151 = arith.constant 0 : i32
    %dma_wait3A_152 = tpu.memref_slice %arg12[%dma_wait3A_147, %dma_wait3A_151] : memref<4x80xi32, #tpu.memory_space<vmem>> -> memref<1x80xi32, #tpu.memory_space<vmem>>
    %dma_wait3A_153 = tpu.memref_squeeze %dma_wait3A_152 : memref<1x80xi32, #tpu.memory_space<vmem>> -> memref<80xi32, #tpu.memory_space<vmem>>
    %dma_wait3A_154 = arith.constant 0 : i32
    %dma_wait3A_155 = arith.constant 0 : i32
    %dma_wait3A_156 = tpu.memref_slice %arg3[%dma_wait3A_154, %dma_wait3A_155] : memref<10000x16xf32, #tpu.memory_space<hbm>> -> memref<10000x16xf32, #tpu.memory_space<hbm>>
    tpu.wait_indirect_dma semaphore(%arg20 : memref<!tpu.dma_semaphore, #tpu.memory_space<semaphore_mem>>) src(%dma_wait3A_156 : memref<10000x16xf32, #tpu.memory_space<hbm>>) dst(%dma_wait3A_150 : memref<80x16xf32, #tpu.memory_space<vmem>>)
    %dma_wait3A_157 = arith.constant 0 : i32
    %dma_wait3A_158 = arith.constant 0 : i32
    %dma_wait3A_159 = arith.constant 0 : i32
    %dma_wait3A_160 = tpu.memref_slice %arg15[%dma_wait3A_158, %dma_wait3A_159] : memref<160x16xf32, #tpu.memory_space<vmem>> -> memref<80x16xf32, #tpu.memory_space<vmem>>
    %dma_wait3A_161 = arith.constant 0 : i32
    %dma_wait3A_162 = tpu.memref_slice %arg13[%dma_wait3A_157, %dma_wait3A_161] : memref<4x80xi32, #tpu.memory_space<vmem>> -> memref<1x80xi32, #tpu.memory_space<vmem>>
    %dma_wait3A_163 = tpu.memref_squeeze %dma_wait3A_162 : memref<1x80xi32, #tpu.memory_space<vmem>> -> memref<80xi32, #tpu.memory_space<vmem>>
    %dma_wait3A_164 = arith.constant 0 : i32
    %dma_wait3A_165 = arith.constant 0 : i32
    %dma_wait3A_166 = tpu.memref_slice %arg4[%dma_wait3A_164, %dma_wait3A_165] : memref<10000x16xf32, #tpu.memory_space<hbm>> -> memref<10000x16xf32, #tpu.memory_space<hbm>>
    tpu.wait_indirect_dma semaphore(%arg20 : memref<!tpu.dma_semaphore, #tpu.memory_space<semaphore_mem>>) src(%dma_wait3A_166 : memref<10000x16xf32, #tpu.memory_space<hbm>>) dst(%dma_wait3A_160 : memref<80x16xf32, #tpu.memory_space<vmem>>)
    %dma_wait3A_167 = arith.constant 0 : i32
    %dma_wait3A_168 = arith.constant 0 : i32
    %dma_wait3A_169 = arith.constant 0 : i32
    %dma_wait3A_170 = tpu.memref_slice %arg16[%dma_wait3A_168, %dma_wait3A_169] : memref<160x128xbf16, #tpu.memory_space<vmem>> -> memref<80x128xbf16, #tpu.memory_space<vmem>>
    %dma_wait3A_171 = arith.constant 0 : i32
    %dma_wait3A_172 = tpu.memref_slice %arg12[%dma_wait3A_167, %dma_wait3A_171] : memref<4x80xi32, #tpu.memory_space<vmem>> -> memref<1x80xi32, #tpu.memory_space<vmem>>
    %dma_wait3A_173 = tpu.memref_squeeze %dma_wait3A_172 : memref<1x80xi32, #tpu.memory_space<vmem>> -> memref<80xi32, #tpu.memory_space<vmem>>
    %dma_wait3A_174 = arith.constant 0 : i32
    %dma_wait3A_175 = arith.constant 0 : i32
    %dma_wait3A_176 = tpu.memref_slice %arg2[%dma_wait3A_174, %dma_wait3A_175] : memref<10000x128xbf16, #tpu.memory_space<hbm>> -> memref<10000x128xbf16, #tpu.memory_space<hbm>>
    tpu.wait_indirect_dma semaphore(%arg20 : memref<!tpu.dma_semaphore, #tpu.memory_space<semaphore_mem>>) src(%dma_wait3A_176 : memref<10000x128xbf16, #tpu.memory_space<hbm>>) dst(%dma_wait3A_170 : memref<80x128xbf16, #tpu.memory_space<vmem>>)
    %dma_wait3A_177 = arith.constant 0 : i32
    %dma_wait3A_178 = arith.constant 0 : i32
    %dma_wait3A_179 = arith.constant 0 : i32
    %dma_wait3A_180 = tpu.memref_slice %arg14[%dma_wait3A_178, %dma_wait3A_179] : memref<160x16xf32, #tpu.memory_space<vmem>> -> memref<80x16xf32, #tpu.memory_space<vmem>>
    %dma_wait3A_181 = arith.constant 0 : i32
    %dma_wait3A_182 = tpu.memref_slice %arg13[%dma_wait3A_177, %dma_wait3A_181] : memref<4x80xi32, #tpu.memory_space<vmem>> -> memref<1x80xi32, #tpu.memory_space<vmem>>
    %dma_wait3A_183 = tpu.memref_squeeze %dma_wait3A_182 : memref<1x80xi32, #tpu.memory_space<vmem>> -> memref<80xi32, #tpu.memory_space<vmem>>
    %dma_wait3A_184 = arith.constant 0 : i32
    %dma_wait3A_185 = arith.constant 0 : i32
    %dma_wait3A_186 = tpu.memref_slice %arg11[%dma_wait3A_184, %dma_wait3A_185] : memref<10112x16xf32, #tpu.memory_space<vmem_shared>> -> memref<10112x16xf32, #tpu.memory_space<vmem_shared>>
    tpu.wait_indirect_dma semaphore(%arg21 : memref<!tpu.dma_semaphore, #tpu.memory_space<semaphore_mem>>) src(%dma_wait3A_180 : memref<80x16xf32, #tpu.memory_space<vmem>>) dst(%dma_wait3A_186 : memref<10112x16xf32, #tpu.memory_space<vmem_shared>>)
    %dma_wait3A_187 = arith.constant 0 : i32
    %dma_wait3A_188 = arith.constant 0 : i32
    %dma_wait3A_189 = arith.constant 0 : i32
    %dma_wait3A_190 = tpu.memref_slice %arg17[%dma_wait3A_188, %dma_wait3A_189] : memref<160x128xf32, #tpu.memory_space<vmem>> -> memref<80x128xf32, #tpu.memory_space<vmem>>
    %dma_wait3A_191 = arith.constant 0 : i32
    %dma_wait3A_192 = tpu.memref_slice %arg13[%dma_wait3A_187, %dma_wait3A_191] : memref<4x80xi32, #tpu.memory_space<vmem>> -> memref<1x80xi32, #tpu.memory_space<vmem>>
    %dma_wait3A_193 = tpu.memref_squeeze %dma_wait3A_192 : memref<1x80xi32, #tpu.memory_space<vmem>> -> memref<80xi32, #tpu.memory_space<vmem>>
    %dma_wait3A_194 = arith.constant 0 : i32
    %dma_wait3A_195 = arith.constant 0 : i32
    %dma_wait3A_196 = tpu.memref_slice %arg10[%dma_wait3A_194, %dma_wait3A_195] : memref<10112x128xf32, #tpu.memory_space<vmem_shared>> -> memref<10112x128xf32, #tpu.memory_space<vmem_shared>>
    tpu.wait_indirect_dma semaphore(%arg21 : memref<!tpu.dma_semaphore, #tpu.memory_space<semaphore_mem>>) src(%dma_wait3A_190 : memref<80x128xf32, #tpu.memory_space<vmem>>) dst(%dma_wait3A_196 : memref<10112x128xf32, #tpu.memory_space<vmem_shared>>)
    %dma_wait3A_197 = arith.constant 0 : i32
    %dma_wait3A_198 = arith.constant 0 : i32
    %dma_wait3A_199 = tpu.memref_slice %arg12[%dma_wait3A_197, %dma_wait3A_198] : memref<4x80xi32, #tpu.memory_space<vmem>> -> memref<1x80xi32, #tpu.memory_space<vmem>>
    %dma_wait3A_200 = tpu.memref_squeeze %dma_wait3A_199 : memref<1x80xi32, #tpu.memory_space<vmem>> -> memref<80xi32, #tpu.memory_space<vmem>>
    %dma_wait3A_201 = arith.constant 0 : i32
    %dma_wait3A_202 = tpu.memref_slice %arg6[%dma_wait3A_201] : memref<320000xi32, #tpu.memory_space<hbm>> -> memref<80xi32, #tpu.memory_space<hbm>>
    %dma_wait3A_203 = arith.constant 0 : i32
    %dma_wait3A_204 = tpu.memref_slice %arg12[%dma_wait3A_197, %dma_wait3A_203] : memref<4x80xi32, #tpu.memory_space<vmem>> -> memref<1x80xi32, #tpu.memory_space<vmem>>
    %dma_wait3A_205 = tpu.memref_squeeze %dma_wait3A_204 : memref<1x80xi32, #tpu.memory_space<vmem>> -> memref<80xi32, #tpu.memory_space<vmem>>
    %dma_wait3A_206 = arith.constant 0 : i32
    %dma_wait3A_207 = tpu.memref_slice %arg6[%dma_wait3A_206] : memref<320000xi32, #tpu.memory_space<hbm>> -> memref<80xi32, #tpu.memory_space<hbm>>
    tpu.wait_dma2 semaphore(%arg19 : memref<!tpu.dma_semaphore, #tpu.memory_space<semaphore_mem>>) src(%dma_wait3A_207 : memref<80xi32, #tpu.memory_space<hbm>>) dst(%dma_wait3A_205 : memref<80xi32, #tpu.memory_space<vmem>>)
    %dma_wait3A_208 = arith.constant 0 : i32
    %dma_wait3A_209 = arith.constant 0 : i32
    %dma_wait3A_210 = tpu.memref_slice %arg13[%dma_wait3A_208, %dma_wait3A_209] : memref<4x80xi32, #tpu.memory_space<vmem>> -> memref<1x80xi32, #tpu.memory_space<vmem>>
    %dma_wait3A_211 = tpu.memref_squeeze %dma_wait3A_210 : memref<1x80xi32, #tpu.memory_space<vmem>> -> memref<80xi32, #tpu.memory_space<vmem>>
    %dma_wait3A_212 = arith.constant 0 : i32
    %dma_wait3A_213 = tpu.memref_slice %arg7[%dma_wait3A_212] : memref<320000xi32, #tpu.memory_space<hbm>> -> memref<80xi32, #tpu.memory_space<hbm>>
    %dma_wait3A_214 = arith.constant 0 : i32
    %dma_wait3A_215 = tpu.memref_slice %arg13[%dma_wait3A_208, %dma_wait3A_214] : memref<4x80xi32, #tpu.memory_space<vmem>> -> memref<1x80xi32, #tpu.memory_space<vmem>>
    %dma_wait3A_216 = tpu.memref_squeeze %dma_wait3A_215 : memref<1x80xi32, #tpu.memory_space<vmem>> -> memref<80xi32, #tpu.memory_space<vmem>>
    %dma_wait3A_217 = arith.constant 0 : i32
    %dma_wait3A_218 = tpu.memref_slice %arg7[%dma_wait3A_217] : memref<320000xi32, #tpu.memory_space<hbm>> -> memref<80xi32, #tpu.memory_space<hbm>>
    tpu.wait_dma2 semaphore(%arg19 : memref<!tpu.dma_semaphore, #tpu.memory_space<semaphore_mem>>) src(%dma_wait3A_218 : memref<80xi32, #tpu.memory_space<hbm>>) dst(%dma_wait3A_216 : memref<80xi32, #tpu.memory_space<vmem>>)
    %barrier3A_219 = arith.constant 0 : index
    tpu.barrier barrier_id(%barrier3A_219)
    "tpu.region"() ({
      %run_scoped3A = tpu.sem_alloc : memref<!tpu.dma_semaphore, #tpu.memory_space<semaphore_mem>>
      %dma_start3A_220 = arith.constant 0 : i32
      %dma_start3A_221 = tpu.memref_slice %arg8[%arg0, %mul3A_56, %dma_start3A_220] : memref<2x10112x128xf32, #tpu.memory_space<hbm>> -> memref<1x632x128xf32, #tpu.memory_space<hbm>>
      %dma_start3A_222 = tpu.memref_squeeze %dma_start3A_221 : memref<1x632x128xf32, #tpu.memory_space<hbm>> -> memref<632x128xf32, #tpu.memory_space<hbm>>
      %dma_start3A_223 = arith.constant 0 : i32
      %dma_start3A_224 = tpu.memref_slice %arg10[%mul3A_56, %dma_start3A_223] : memref<10112x128xf32, #tpu.memory_space<vmem_shared>> -> memref<632x128xf32, #tpu.memory_space<vmem_shared>>
      tpu.enqueue_dma source(%dma_start3A_224 : memref<632x128xf32, #tpu.memory_space<vmem_shared>>) target(%dma_start3A_222 : memref<632x128xf32, #tpu.memory_space<hbm>>) target_semaphore(%run_scoped3A : memref<!tpu.dma_semaphore, #tpu.memory_space<semaphore_mem>>)
      %dma_wait3A_225 = arith.constant 0 : i32
      %dma_wait3A_226 = tpu.memref_slice %arg8[%arg0, %mul3A_56, %dma_wait3A_225] : memref<2x10112x128xf32, #tpu.memory_space<hbm>> -> memref<1x632x128xf32, #tpu.memory_space<hbm>>
      %dma_wait3A_227 = tpu.memref_squeeze %dma_wait3A_226 : memref<1x632x128xf32, #tpu.memory_space<hbm>> -> memref<632x128xf32, #tpu.memory_space<hbm>>
      %dma_wait3A_228 = arith.constant 0 : i32
      %dma_wait3A_229 = tpu.memref_slice %arg10[%mul3A_56, %dma_wait3A_228] : memref<10112x128xf32, #tpu.memory_space<vmem_shared>> -> memref<632x128xf32, #tpu.memory_space<vmem_shared>>
      tpu.wait_dma2 semaphore(%run_scoped3A : memref<!tpu.dma_semaphore, #tpu.memory_space<semaphore_mem>>) src(%dma_wait3A_229 : memref<632x128xf32, #tpu.memory_space<vmem_shared>>) dst(%dma_wait3A_227 : memref<632x128xf32, #tpu.memory_space<hbm>>)
      tpu.yield
    }) : () -> ()
    "tpu.region"() ({
      %run_scoped3A = tpu.sem_alloc : memref<!tpu.dma_semaphore, #tpu.memory_space<semaphore_mem>>
      %dma_start3A_220 = arith.constant 0 : i32
      %dma_start3A_221 = tpu.memref_slice %arg9[%arg0, %mul3A_56, %dma_start3A_220] : memref<2x10112x16xf32, #tpu.memory_space<hbm>> -> memref<1x632x16xf32, #tpu.memory_space<hbm>>
      %dma_start3A_222 = tpu.memref_squeeze %dma_start3A_221 : memref<1x632x16xf32, #tpu.memory_space<hbm>> -> memref<632x16xf32, #tpu.memory_space<hbm>>
      %dma_start3A_223 = arith.constant 0 : i32
      %dma_start3A_224 = tpu.memref_slice %arg11[%mul3A_56, %dma_start3A_223] : memref<10112x16xf32, #tpu.memory_space<vmem_shared>> -> memref<632x16xf32, #tpu.memory_space<vmem_shared>>
      tpu.enqueue_dma source(%dma_start3A_224 : memref<632x16xf32, #tpu.memory_space<vmem_shared>>) target(%dma_start3A_222 : memref<632x16xf32, #tpu.memory_space<hbm>>) target_semaphore(%run_scoped3A : memref<!tpu.dma_semaphore, #tpu.memory_space<semaphore_mem>>)
      %dma_wait3A_225 = arith.constant 0 : i32
      %dma_wait3A_226 = tpu.memref_slice %arg9[%arg0, %mul3A_56, %dma_wait3A_225] : memref<2x10112x16xf32, #tpu.memory_space<hbm>> -> memref<1x632x16xf32, #tpu.memory_space<hbm>>
      %dma_wait3A_227 = tpu.memref_squeeze %dma_wait3A_226 : memref<1x632x16xf32, #tpu.memory_space<hbm>> -> memref<632x16xf32, #tpu.memory_space<hbm>>
      %dma_wait3A_228 = arith.constant 0 : i32
      %dma_wait3A_229 = tpu.memref_slice %arg11[%mul3A_56, %dma_wait3A_228] : memref<10112x16xf32, #tpu.memory_space<vmem_shared>> -> memref<632x16xf32, #tpu.memory_space<vmem_shared>>
      tpu.wait_dma2 semaphore(%run_scoped3A : memref<!tpu.dma_semaphore, #tpu.memory_space<semaphore_mem>>) src(%dma_wait3A_229 : memref<632x16xf32, #tpu.memory_space<vmem_shared>>) dst(%dma_wait3A_227 : memref<632x16xf32, #tpu.memory_space<hbm>>)
      tpu.yield
    }) : () -> ()
    return
  }
}

module attributes {stable_mosaic.version = 14 : i64} {
  func.func @_dense_body(%arg0: memref<10000x128xf32, #tpu.memory_space<vmem>>, %arg1: memref<128x128xf32, #tpu.memory_space<vmem>>, %arg2: memref<1x128xf32, #tpu.memory_space<vmem>>, %arg3: memref<128x16xf32, #tpu.memory_space<vmem>>, %arg4: memref<128x16xf32, #tpu.memory_space<vmem>>, %arg5: memref<1x16xf32, #tpu.memory_space<vmem>>, %arg6: memref<10000x128xbf16, #tpu.memory_space<vmem>>, %arg7: memref<10000x128xf32, #tpu.memory_space<vmem>>) attributes {dimension_semantics = [], scalar_prefetch = 0 : i64, scratch_operands = 0 : i64, tpu.core_type = #tpu.core_type<tc>} {
    %get3A = arith.constant 0 : index
    %get3A_0 = arith.constant 0 : index
    %get3A_1 = vector.load %arg0[%get3A, %get3A_0] : memref<10000x128xf32, #tpu.memory_space<vmem>>, vector<10000x128xf32>
    %get3A_2 = arith.constant 0 : index
    %get3A_3 = arith.constant 0 : index
    %get3A_4 = vector.load %arg1[%get3A_2, %get3A_3] : memref<128x128xf32, #tpu.memory_space<vmem>>, vector<128x128xf32>
    %dot_general3A = arith.constant dense<0.000000e+00> : vector<10000x128xf32>
    %dot_general3A_5 = tpu.matmul %get3A_1, %get3A_4, %dot_general3A {dimension_numbers = #tpu.dot_dimension_numbers<[1], [0], [0], [1], [0, 0, 1, 1], [], []>, transpose_lhs_hint = false} : vector<10000x128xf32>, vector<128x128xf32>, vector<10000x128xf32> -> vector<10000x128xf32>
    %get3A_6 = arith.constant 0 : index
    %get3A_7 = arith.constant 0 : index
    %get3A_8 = vector.load %arg2[%get3A_6, %get3A_7] : memref<1x128xf32, #tpu.memory_space<vmem>>, vector<1x128xf32>
    %add3A = vector.broadcast %get3A_8 : vector<1x128xf32> to vector<10000x128xf32>
    %add3A_9 = arith.addf %dot_general3A_5, %add3A : vector<10000x128xf32>
    %convert_element_type3A = arith.truncf %add3A_9 : vector<10000x128xf32> to vector<10000x128xbf16>
    %swap3A = arith.constant 0 : index
    %swap3A_10 = arith.constant 0 : index
    %swap3A_11 = vector.load %arg6[%swap3A, %swap3A_10] : memref<10000x128xbf16, #tpu.memory_space<vmem>>, vector<10000x128xbf16>
    tpu.vector_store %arg6[%swap3A, %swap3A_10], %convert_element_type3A {strides = array<i32>} : memref<10000x128xbf16, #tpu.memory_space<vmem>>, vector<10000x128xbf16>,
    %get3A_12 = arith.constant 0 : index
    %get3A_13 = arith.constant 0 : index
    %get3A_14 = vector.load %arg3[%get3A_12, %get3A_13] : memref<128x16xf32, #tpu.memory_space<vmem>>, vector<128x16xf32>
    %dot_general3A_15 = arith.constant dense<0.000000e+00> : vector<10000x16xf32>
    %dot_general3A_16 = tpu.matmul %add3A_9, %get3A_14, %dot_general3A_15 {dimension_numbers = #tpu.dot_dimension_numbers<[1], [0], [0], [1], [0, 0, 1, 1], [], []>, transpose_lhs_hint = false} : vector<10000x128xf32>, vector<128x16xf32>, vector<10000x16xf32> -> vector<10000x16xf32>
    %get3A_17 = arith.constant 0 : index
    %get3A_18 = arith.constant 0 : index
    %get3A_19 = vector.load %arg4[%get3A_17, %get3A_18] : memref<128x16xf32, #tpu.memory_space<vmem>>, vector<128x16xf32>
    %dot_general3A_20 = arith.constant dense<0.000000e+00> : vector<10000x16xf32>
    %dot_general3A_21 = tpu.matmul %add3A_9, %get3A_19, %dot_general3A_20 {dimension_numbers = #tpu.dot_dimension_numbers<[1], [0], [0], [1], [0, 0, 1, 1], [], []>, transpose_lhs_hint = false} : vector<10000x128xf32>, vector<128x16xf32>, vector<10000x16xf32> -> vector<10000x16xf32>
    %get3A_22 = arith.constant 0 : index
    %get3A_23 = arith.constant 0 : index
    %get3A_24 = vector.load %arg5[%get3A_22, %get3A_23] : memref<1x16xf32, #tpu.memory_space<vmem>>, vector<1x16xf32>
    %add3A_25 = vector.broadcast %get3A_24 : vector<1x16xf32> to vector<10000x16xf32>
    %add3A_26 = arith.addf %dot_general3A_21, %add3A_25 : vector<10000x16xf32>
    %reduce_max3A = arith.constant dense<0xFF800000> : vector<16xf32>
    %reduce_max3A_27 = vector.multi_reduction <maximumf>, %dot_general3A_16, %reduce_max3A [0] : vector<10000x16xf32> to vector<16xf32>
    %broadcast_in_dim3A = vector.shape_cast %reduce_max3A_27 : vector<16xf32> to vector<1x16xf32>
    %reduce_max3A_28 = arith.constant dense<0xFF800000> : vector<16xf32>
    %reduce_max3A_29 = vector.multi_reduction <maximumf>, %add3A_26, %reduce_max3A_28 [0] : vector<10000x16xf32> to vector<16xf32>
    %broadcast_in_dim3A_30 = vector.shape_cast %reduce_max3A_29 : vector<16xf32> to vector<1x16xf32>
    %add3A_31 = arith.addf %broadcast_in_dim3A, %broadcast_in_dim3A_30 : vector<1x16xf32>
    %mul3A = arith.constant 2.000000e-01 : f32
    %mul3A_32 = vector.broadcast %mul3A : f32 to vector<1x16xf32>
    %mul3A_33 = arith.mulf %mul3A_32, %add3A_31 : vector<1x16xf32>
    %max3A = arith.maximumf %add3A_31, %mul3A_33 : vector<1x16xf32>
    %broadcast_in_dim3A_34 = vector.shape_cast %max3A : vector<1x16xf32> to vector<1x16xf32>
    %broadcast_in_dim3A_35 = vector.broadcast %broadcast_in_dim3A_34 : vector<1x16xf32> to vector<10000x16xf32>
    %broadcast_in_dim3A_36 = arith.constant 0.000000e+00 : f32
    %broadcast_in_dim3A_37 = vector.broadcast %broadcast_in_dim3A_36 : f32 to vector<10000x80xf32>
    %concatenate3A = tpu.concatenate %dot_general3A_16, %add3A_26, %broadcast_in_dim3A_35, %broadcast_in_dim3A_37 in 1 : vector<10000x16xf32>, vector<10000x16xf32>, vector<10000x16xf32>, vector<10000x80xf32> -> vector<10000x128xf32>
    %swap3A_38 = arith.constant 0 : index
    %swap3A_39 = arith.constant 0 : index
    %swap3A_40 = vector.load %arg7[%swap3A_38, %swap3A_39] : memref<10000x128xf32, #tpu.memory_space<vmem>>, vector<10000x128xf32>
    tpu.vector_store %arg7[%swap3A_38, %swap3A_39], %concatenate3A {strides = array<i32>} : memref<10000x128xf32, #tpu.memory_space<vmem>>, vector<10000x128xf32>,
    return
  }
}

module attributes {stable_mosaic.version = 14 : i64} {
  func.func @_combine_body(%arg0: memref<2x10112x128xf32, #tpu.memory_space<vmem>>, %arg1: memref<2x10112x16xf32, #tpu.memory_space<vmem>>, %arg2: memref<16x128xf32, #tpu.memory_space<vmem>>, %arg3: memref<128x128xf32, #tpu.memory_space<vmem>>, %arg4: memref<10000x128xf32, #tpu.memory_space<vmem>>) attributes {dimension_semantics = [], scalar_prefetch = 0 : i64, scratch_operands = 0 : i64, tpu.core_type = #tpu.core_type<tc>} {
    %get3A = arith.constant 0 : index
    %get3A_0 = arith.constant 0 : index
    %get3A_1 = arith.constant 0 : index
    %get3A_2 = vector.load %arg0[%get3A, %get3A_0, %get3A_1] : memref<2x10112x128xf32, #tpu.memory_space<vmem>>, vector<1x10000x128xf32>
    %get3A_3 = vector.shape_cast %get3A_2 : vector<1x10000x128xf32> to vector<10000x128xf32>
    %get3A_4 = arith.constant 1 : index
    %get3A_5 = arith.constant 0 : index
    %get3A_6 = arith.constant 0 : index
    %get3A_7 = vector.load %arg0[%get3A_4, %get3A_5, %get3A_6] : memref<2x10112x128xf32, #tpu.memory_space<vmem>>, vector<1x10000x128xf32>
    %get3A_8 = vector.shape_cast %get3A_7 : vector<1x10000x128xf32> to vector<10000x128xf32>
    %add3A = arith.addf %get3A_3, %get3A_8 : vector<10000x128xf32>
    %get3A_9 = arith.constant 0 : index
    %get3A_10 = arith.constant 0 : index
    %get3A_11 = arith.constant 0 : index
    %get3A_12 = vector.load %arg1[%get3A_9, %get3A_10, %get3A_11] : memref<2x10112x16xf32, #tpu.memory_space<vmem>>, vector<1x10000x16xf32>
    %get3A_13 = vector.shape_cast %get3A_12 : vector<1x10000x16xf32> to vector<10000x16xf32>
    %get3A_14 = arith.constant 1 : index
    %get3A_15 = arith.constant 0 : index
    %get3A_16 = arith.constant 0 : index
    %get3A_17 = vector.load %arg1[%get3A_14, %get3A_15, %get3A_16] : memref<2x10112x16xf32, #tpu.memory_space<vmem>>, vector<1x10000x16xf32>
    %get3A_18 = vector.shape_cast %get3A_17 : vector<1x10000x16xf32> to vector<10000x16xf32>
    %add3A_19 = arith.addf %get3A_13, %get3A_18 : vector<10000x16xf32>
    %get3A_20 = arith.constant 0 : index
    %get3A_21 = arith.constant 0 : index
    %get3A_22 = vector.load %arg2[%get3A_20, %get3A_21] : memref<16x128xf32, #tpu.memory_space<vmem>>, vector<16x128xf32>
    %dot_general3A = arith.constant dense<0.000000e+00> : vector<10000x128xf32>
    %dot_general3A_23 = tpu.matmul %add3A_19, %get3A_22, %dot_general3A {dimension_numbers = #tpu.dot_dimension_numbers<[1], [0], [0], [1], [0, 0, 1, 1], [], []>, transpose_lhs_hint = false} : vector<10000x16xf32>, vector<16x128xf32>, vector<10000x128xf32> -> vector<10000x128xf32>
    %gt3A = arith.constant 0.000000e+00 : f32
    %gt3A_24 = vector.broadcast %gt3A : f32 to vector<10000x128xf32>
    %gt3A_25 = arith.cmpf ogt, %dot_general3A_23, %gt3A_24 : vector<10000x128xf32>
    %jit3A = arith.constant 1.000000e+00 : f32
    %broadcast_in_dim3A = vector.broadcast %jit3A : f32 to vector<10000x128xf32>
    %select_n3A = arith.select %gt3A_25, %dot_general3A_23, %broadcast_in_dim3A : vector<10000x128xi1>, vector<10000x128xf32>
    %div3A = arith.divf %add3A, %select_n3A : vector<10000x128xf32>
    %get3A_26 = arith.constant 0 : index
    %get3A_27 = arith.constant 0 : index
    %get3A_28 = vector.load %arg3[%get3A_26, %get3A_27] : memref<128x128xf32, #tpu.memory_space<vmem>>, vector<128x128xf32>
    %dot_general3A_29 = arith.constant dense<0.000000e+00> : vector<10000x128xf32>
    %dot_general3A_30 = tpu.matmul %div3A, %get3A_28, %dot_general3A_29 {dimension_numbers = #tpu.dot_dimension_numbers<[1], [0], [0], [1], [0, 0, 1, 1], [], []>, transpose_lhs_hint = false} : vector<10000x128xf32>, vector<128x128xf32>, vector<10000x128xf32> -> vector<10000x128xf32>
    %swap3A = arith.constant 0 : index
    %swap3A_31 = arith.constant 0 : index
    %swap3A_32 = vector.load %arg4[%swap3A, %swap3A_31] : memref<10000x128xf32, #tpu.memory_space<vmem>>, vector<10000x128xf32>
    tpu.vector_store %arg4[%swap3A, %swap3A_31], %dot_general3A_30 {strides = array<i32>} : memref<10000x128xf32, #tpu.memory_space<vmem>>, vector<10000x128xf32>,
    return
  }
}

</mosaic_0001>

<sc_bundles>
// kernel: kernel.5.cloned.1.call-start
scs
__scs_entry_jumppad:
0x0: {  	(pc) =	sbr.rel $0x88, $3  }
0x1: {  	(tag) =	ssettag $0x0;
	lr =	simm.s32 $0x1  }
0x2: {  	[smem:$0x3F9B] =	sst lr;
	_ =	strace $0xD0000000  }
0x3: {  	_ = 	snop  }
0x4: {  	_ = 	snop  }
0x5: {  	_ = 	snop  }
0x6: {  	_ = 	snop  }
0x7: {  	_ = 	snop  }
__scs_overlays_trampoline_lowered:
0x8: {  	[smem:$0x3FAA] =	sst s0  }
0x9: {  	[smem:$0x3FAB] =	sst s1  }
0xa: {  	[smem:$0x3FAC] =	sst s2  }
0xb: {  	[smem:$0x3FAD] =	sst s3  }
0xc: {  	[smem:$0x3FAE] =	sst s4  }
0xd: {  	[smem:$0x3FAF] =	sst s5  }
0xe: {  	[smem:$0x3FB0] =	sst s6  }
0xf: {  	[smem:$0x3FB1] =	sst s7  }
0x10: {  	[smem:$0x3FB2] =	sst s8  }
0x11: {  	[smem:$0x3FB3] =	sst s9;
	s0 =	simm.s32 @!p0 $0x0  }
0x12: {  	s1 =	sld [smem:$0x3F99];
	s0 =	simm.s32 @p0 $0x1  }
0x13: {  	[smem:$0x3FB4] =	sst s0;
	s0 =	simm.s32 @!p1 $0x0  }
0x14: {  	s2 =	sld [smem:$0x3F98];
	s0 =	simm.s32 @p1 $0x1  }
0x15: {  	[smem:$0x3FB5] =	sst s0;
	s0 =	simm.s32 @!p2 $0x0  }
0x16: {  	s3 =	sld [smem:$0x3FDB];
	s0 =	simm.s32 @p2 $0x1  }
0x17: {  	s4 =	simm.s32 $0x1BF5;
	[smem:$0x3FB7] =	sst s0  }
0x18: {  	s0 =	sld [smem:$0x3F9A];
	_ =	swait.ge [sflag:s4], $0x0  }
0x19: {  	s7 =	sld [smem:$0x3F9B]  }
0x1a: {  	s8 =	sadd.s32 $0xFFFFE003, lr  }
0x1b: {  	s9 =	sadd.s32 $0xFFFFFEF7, lr;
	s5 =	simm.s32 $0xFFFFFFFF;
	p2 =	slt.u32 s8, $0xFFFFF086  }
0x1c: {  	p1 =	slt.u32 s9, $0xF7A;
	s5 =	simm.s32 @!p2 $0x0  }
0x1d: {  	s5 =	simm.s32 @p1 $0x1;
	p0 =	seq.s32 s7, s2  }
0x1e: {  	s7 =	smul.u32 @!p0 $0xF7A, s2;
	p2 =	seq.s32 @!p0 s5, $0x0  }
0x1f: {  	s9 =	smul.u32 $0xF7A, s1;
	s8 =	simm.s32 @!p0 $0x1BF5;
	p2 =	por !p2, p0  }
0x20: {  	[sflag:s8] =	ssyncset.s32 @!p0 $0xFFFFF086;
	s6 =	sadd.s32 @!p0 s3, s7;
	s7 =	simm.s32 @!p0 $0x108  }
0x21: {  	s3 =	sadd.s32 s3, s9;
	s6 =	sadd.s32 @!p0 $0x88, s6;
	s7 =	simm.s32 @p2 $0x1082  }
0x22: {  	[simem:s7], [sflag:s8] =	dma.local @!p0 [hbm:s6], $0xF7A  }
0x23: {  	s9 =	sor.u32 $0xD0000000, s2;
	s6 =	simm.s32 $0x108;
	_ =	swait.ge @!p0 [sflag:s8], $0x0  }
0x24: {  	s3 =	sadd.s32 $0x88, s3;
	s6 =	simm.s32 @!p1 $0x1082;
	[sflag:s4] =	ssyncset.s32 $0xFFFFF086  }
0x25: {  	[simem:s6], [sflag:s4] =	dma.local [hbm:s3], $0xF7A  }
0x26: {  	[smem:$0x3F9B] =	sst s1;
	(tag) =	ssettag s2;
	_ =	strace s9  }
0x27: {  	s1 =	sld [smem:$0x3FAB]  }
0x28: {  	s2 =	sld [smem:$0x3FAC]  }
0x29: {  	s4 =	sld [smem:$0x3FAE]  }
0x2a: {  	p0 =	seq.s32 s5, $0x0;
	s5 =	sld [smem:$0x3FAF]  }
0x2b: {  	s6 =	sld [smem:$0x3FB0]  }
0x2c: {  	s7 =	sld [smem:$0x3FB1]  }
0x2d: {  	s3 =	simm.s32 $0x108;
	s8 =	sld [smem:$0x3FB2]  }
0x2e: {  	s3 =	simm.s32 @!p0 $0x1082;
	s9 =	sld [smem:$0x3FB3]  }
0x2f: {  	lr =	sadd.s32 s0, s3;
	s0 =	sld [smem:$0x3FAA]  }
0x30: {  	s3 =	sld [smem:$0x3FAD]  }
0x31: {  	[smem:$0x3FB6] =	sst s10  }
0x32: {  	s10 =	sld [smem:$0x3FB4];
	_ =	sdelay $0x3  }
0x33: {  	p0 =	seq.s32 s10, $0x1;
	s10 =	sld [smem:$0x3FB6];
	_ =	sdelay $0x3  }
0x34: {  	[smem:$0x3FB6] =	sst s10  }
0x35: {  	s10 =	sld [smem:$0x3FB5];
	_ =	sdelay $0x3  }
0x36: {  	p1 =	seq.s32 s10, $0x1;
	s10 =	sld [smem:$0x3FB6];
	_ =	sdelay $0x3  }
0x37: {  	[smem:$0x3FB6] =	sst s10  }
0x38: {  	s10 =	sld [smem:$0x3FB7]  }
0x39: {  	_ = 	snop;
	(pc) =	sbr.ind lr, $3  }
0x3a: {  	_ = 	snop  }
0x3b: {  	_ = 	snop  }
0x3c: {  	p2 =	seq.s32 s10, $0x1;
	s10 =	sld [smem:$0x3FB6]  }
0x3d: {  	_ =	shalt  }
0x3e: {  	_ =	shalt  }
0x3f: {  	_ =	shalt  }
0x40: {  	_ =	shalt  }
0x41: {  	_ =	shalt  }
0x42: {  	_ =	shalt  }
0x43: {  	_ =	shalt  }
0x44: {  	_ =	shalt  }
0x45: {  	_ =	shalt  }
0x46: {  	_ =	shalt  }
0x47: {  	_ =	shalt  }
0x48: {  	_ =	shalt  }
0x49: {  	_ =	shalt  }
0x4a: {  	_ =	shalt  }
0x4b: {  	_ =	shalt  }
0x4c: {  	_ =	shalt  }
0x4d: {  	_ =	shalt  }
0x4e: {  	_ =	shalt  }
0x4f: {  	_ =	shalt  }
0x50: {  	_ =	shalt  }
0x51: {  	_ =	shalt  }
0x52: {  	_ =	shalt  }
0x53: {  	_ =	shalt  }
0x54: {  	_ =	shalt  }
0x55: {  	_ =	shalt  }
0x56: {  	_ =	shalt  }
0x57: {  	_ =	shalt  }
0x58: {  	_ =	shalt  }
0x59: {  	_ =	shalt  }
0x5a: {  	_ =	shalt  }
0x5b: {  	_ =	shalt  }
0x5c: {  	_ =	shalt  }
0x5d: {  	_ =	shalt  }
0x5e: {  	_ =	shalt  }
0x5f: {  	_ =	shalt  }
0x60: {  	_ =	shalt  }
0x61: {  	_ =	shalt  }
0x62: {  	_ =	shalt  }
0x63: {  	_ =	shalt  }
0x64: {  	_ =	shalt  }
0x65: {  	_ =	shalt  }
0x66: {  	_ =	shalt  }
0x67: {  	_ =	shalt  }
0x68: {  	_ =	shalt  }
0x69: {  	_ =	shalt  }
0x6a: {  	_ =	shalt  }
0x6b: {  	_ =	shalt  }
0x6c: {  	_ =	shalt  }
0x6d: {  	_ =	shalt  }
0x6e: {  	_ =	shalt  }
0x6f: {  	_ =	shalt  }
0x70: {  	_ =	shalt  }
0x71: {  	_ =	shalt  }
0x72: {  	_ =	shalt  }
0x73: {  	_ =	shalt  }
0x74: {  	_ =	shalt  }
0x75: {  	_ =	shalt  }
0x76: {  	_ =	shalt  }
0x77: {  	_ =	shalt  }
0x78: {  	_ =	shalt  }
0x79: {  	_ =	shalt  }
0x7a: {  	_ =	shalt  }
0x7b: {  	_ =	shalt  }
0x7c: {  	_ =	shalt  }
0x7d: {  	_ =	shalt  }
0x7e: {  	_ =	shalt  }
0x7f: {  	_ =	shalt  }
0x80: {  	_ =	shalt  }
0x81: {  	_ =	shalt  }
0x82: {  	_ =	shalt  }
0x83: {  	_ =	shalt  }
0x84: {  	_ =	shalt  }
0x85: {  	_ =	shalt  }
0x86: {  	_ =	shalt  }
0x87: {  	_ =	shalt  }
.Lfunc_end0:
.L_simem_size_0:
called_computation_lowered:
.L_overlay_start_0:
0x88: {  	s2 =	sld [smem:$0x3FD9]  }
0x89: {  	s3 =	sld [smem:$0x3FFE];
	_ =	sdelay $0x1  }
0x8a: {  	s1 =	srdreg.scid  }
0x8b: {  	s0 =	sand.u32 $0x1, s1  }
0x8c: {  	s17 =	sshll.u32 s0, $0xA;
	s2 =	sadd.s32 s3, s2  }
0x8d: {  	s2 =	sadd.s32 s2, s17  }
0x8e: {  	[smem:$0x3FC2] =	sst s2  }
0x8f: {  	_ = 	snop  }
0x90: {  	s2 =	sld [smem:$0x3FD0];
	(tm) =	ssettm $0x1  }
0x91: {  	s18 =	sld [smem:$0x3FFB];
	_ =	sdelay $0x3  }
0x92: {  	_ =	strace s18  }
0x93: {  	s3 =	sld [smem:$0x3FFC];
	_ =	sdelay $0x3  }
0x94: {  	_ =	strace s3  }
0x95: {  	s3 =	sld [smem:$0x3FFD];
	_ =	sdelay $0x3  }
0x96: {  	_ =	strace s3  }
0x97: {  	_ =	strace $0x8FFFFFFF  }
0x98: {  	s19 =	sld [smem:$0x3FDB];
	_ =	sdelay $0x1  }
0x99: {  	s4 =	simm.s32 $_scs_section_size  }
0x9a: {  	s5 =	simm.s32 $_size__tile_overlayer_lowered;
	s6 =	simm.s32 $_tile_overlayer_lowered  }
0x9b: {  	s22 =	simm.s32 $0x1BFF;
	s21 =	sshll.u32 s6, $0x1;
	s3 =	sadd.s32 s4, s19  }
0x9c: {  	s7 =	simm.s32 $0x0;
	s20 =	sshll.u32 s5, $0x1;
	s5 =	sadd.s32 s21, s3  }
0x9d: {  	[timem:s7], [sflag:s22] =	dma.local [hbm:s5], s20  }
0x9e: {  	_ =	swait.ge [sflag:s22], s20  }
0x9f: {  	s4 =	ssub.s32 $0x0, s20;
	[sflag:s22] =	ssyncset.done $0x0  }
0xa0: {  	[sflag:s22] =	ssyncadd.s32 s4;
	_ =	sdelay $0x1  }
0xa1: {  	s23 =	simm.s32 $0x1B8B  }
0xa2: {  	_ =	swait.ge [sflag:s23], $0x1  }
0xa3: {  	[sflag:s23] =	ssyncset.done $0x0  }
0xa4: {  	s25 =	simm.s32 $0x1B8E;
	s24 =	sld [smem:$0x3FFE];
	[sflag:s23] =	ssyncadd.s32 $0xFFFFFFFF  }
0xa5: {  	s26 =	simm.s32 $execute0_lowered;
	[smem:$0x3FD2] =	sst s25  }
0xa6: {  	s5 =	sshll.u32 s26, $0x1;
	_ =	strace $0x80000046;
	[dreg:$0x1] =	wrdreg $0xFFFFFFFF  }
0xa7: {  	s28 =	simm.s32 $_size_execute0_lowered;
	s3 =	sadd.s32 s3, s5;
	[dreg:$0x0] =	wrdreg $0x0  }
0xa8: {  	s5 =	sshll.u32 s28, $0x1;
	[dreg:$0x2] =	wrdreg s3  }
0xa9: {  	[dreg:$0x3] =	wrdreg s5  }
0xaa: {  	[dreg:$0x4] =	wrdreg $0xC0  }
0xab: {  	_ =	task [dreg:s7], $0x5FFFF  }
0xac: {  	[dreg:$0x1] =	wrdreg $0xFFFFFFFF  }
0xad: {  	[dreg:$0x0] =	wrdreg $0x60  }
0xae: {  	[dreg:$0x2] =	wrdreg s2  }
0xaf: {  	[dreg:$0x3] =	wrdreg s24  }
0xb0: {  	[dreg:$0x4] =	wrdreg $0x0  }
0xb1: {  	[dreg:$0x5] =	wrdreg $0x13C000  }
0xb2: {  	[dreg:$0x6] =	wrdreg $0x9  }
0xb3: {  	_ =	task.clear_ibuf [dreg:s7], $0x7FFFF;
	_ =	strace $0x90000046  }
0xb4: {  	s29 =	simm.s32 $0x9;
	_ =	strace $0x80000048  }
0xb5: {  	_ =	swait.ge [sflag:s29], $0x1  }
0xb6: {  	[sflag:s29] =	ssyncadd.s32 $0xFFFFFFFF  }
0xb7: {  	_ =	strace $0x90000048  }
0xb8: {  	_ =	sfence  }
0xb9: {  	s30 =	sld [smem:$0x0];
	_ =	sdelay $0x2  }
0xba: {  	s31 =	sshll.u32 s1, $0xD;
	s1 =	sshrl.u32 s1, $0x2  }
0xbb: {  	s3 =	sand.u32 $0x4000, s31;
	s1 =	sadd.s32 s1, s30  }
0xbc: {  	s0 =	sor.u32 s3, s0;
	s1 =	sshll.u32 s1, $0x11  }
0xbd: {  	s0 =	sor.u32 s1, s0  }
0xbe: {  	s0 =	sadd.s32 $0x8F2B, s0  }
0xbf: {  	[sflag:s0] =	ssyncadd.remote.s32 $0x1  }
0xc0: {  	_ =	sfence.sel $0xFFFF  }
0xc1: {  	[dreg:$0x0] =	wrdreg $0xFFFFFFFF;
	(pc) =	sbr.abs _section_cstart, $3  }
0xc2: {  	[dreg:$0x1] =	wrdreg $0xFFFFFFFF  }
0xc3: {  	_ =	task.clear_ibuf [dreg:s7], $0x2FFFF;
	_ =	strace $0x9FFFFFFF  }
0xc4: {  	(tm) =	ssettm $0x7FFFFFFF  }
0xc5: {  	_ =	shalt  }
tec
execute0_lowered:
.L_overlay_start_1:
0x0: {  	(tag) =	ssettag $0x1  }
0x1: {  	s1 =	rddreg [dreg:$0x0]  }
0x2: {  	s0 =	rddreg [dreg:$0x1]  }
0x3: {  	s2 =	rddreg [dreg:$0x2]  }
0x4: {  	s4 =	rddreg [dreg:$0x3];
	s18 =	stileid.u32  }
0x5: {  	s5 =	simm.s32 $0x0;
	s3 =	srdreg.scid;
	s8 =	smul.u32 $0x13C00, s18  }
0x6: {  	[smem:$0x7FF] =	sst s5;
	s12 =	smul.u32 $0x2780, s18  }
0x7: {  	s3 =	sand.u32 $0x1, s3;
	s6 =	sadd.s32 $0x1AA00, s0;
	s22 =	smul.u32 $0x4F000, s18  }
0x8: {  	s7 =	sadd.s32 $0x15A00, s0;
	s9 =	sadd.s32 $0x1C00, s0;
	s25 =	smul.u32 $0x278, s18  }
0x9: {  	s14 =	sshll.u32 s18, $0x1;
	_ =	strace $0x80000047;
	s10 =	smul.u32 $0x13C000, s3  }
0xa: {  	[dreg:$0x5] =	wrdreg s9;
	s9 =	sadd.s32 $0xBC00, s0;
	s13 =	smul.u32 $0x27800, s3  }
0xb: {  	s19 =	sadd.s32 s8, s2;
	s26 =	sshrl.u32 s22, $0x2;
	s28 =	sadd.s32 $0xA0, s25  }
0xc: {  	s29 =	sadd.s32 $0x140, s25;
	s10 =	sadd.s32 s8, s10;
	s13 =	sadd.s32 s12, s13  }
0xd: {  	s8 =	sadd.s32 s26, s2;
	s30 =	sshll.u32 s28, $0x7;
	s31 =	sshll.u32 s29, $0x7  }
0xe: {  	[dreg:$0xa] =	wrdreg s19;
	s11 =	sshrl.u32 s10, $0x3;
	s10 =	sadd.s32 $0x1E00, s0  }
0xf: {  	s13 =	sshrl.u32 s13, $0x3;
	s18 =	sadd.s32 s31, s2;
	s22 =	sadd.s32 $0x7800, s8  }
0x10: {  	s15 =	sadd.s32 s11, s0;
	s11 =	sor.u32 s3, s14;
	s3 =	ssub.s32 $0x2, s3  }
0x11: {  	s0 =	sadd.s32 s13, s0;
	[dreg:$0xc] =	wrdreg s18;
	s17 =	smul.u32 $0xA, s11  }
0x12: {  	[dreg:$0xf] =	wrdreg s22;
	s18 =	simm.s32 $0x0;
	s0 =	sadd.s32 $0x1FA00, s0  }
0x13: {  	s14 =	smul.u32 $0x50, s11;
	[dreg:$0x17] =	wrdreg s0;
	s21 =	sadd.s32 s9, s17  }
0x14: {  	s16 =	sshrl.u32 s3, $0x1;
	s23 =	sadd.s32 s10, s17;
	[dreg:$0x6] =	wrdreg s21  }
0x15: {  	s3 =	ssub.s32 s3, s16;
	s17 =	sadd.s32 s30, s2;
	[dreg:$0x7] =	wrdreg s23  }
0x16: {  	s16 =	sadd.s32 $0x1E0, s25;
	s30 =	sadd.s32 $0x29800, s15;
	[dreg:$0xb] =	wrdreg s17  }
0x17: {  	s25 =	sshll.u32 s29, $0x4;
	s31 =	smax.u32 s3, $0x1;
	[dreg:$0x16] =	wrdreg s30  }
0x18: {  	s0 =	simm.s32 $0x4;
	s21 =	sadd.s32 $0x2800, s8;
	[dreg:$0x18] =	wrdreg s31  }
0x19: {  	s20 =	sshrl.u32 s14, $0x3;
	s23 =	sadd.s32 $0xC800, s8;
	[dreg:$0xe] =	wrdreg s21  }
0x1a: {  	s26 =	sshll.u32 s16, $0x4;
	s8 =	sadd.s32 $0x11800, s8;
	[dreg:$0x10] =	wrdreg s23  }
0x1b: {  	s13 =	sadd.s32 $0x140, s20;
	s29 =	sadd.s32 s26, s4;
	[dreg:$0x11] =	wrdreg s8  }
0x1c: {  	s14 =	simm.s32 $0x1;
	s24 =	sadd.s32 s9, s13;
	[dreg:$0x15] =	wrdreg s29  }
0x1d: {  	s20 =	sshll.u32 s16, $0x7;
	s13 =	sadd.s32 s10, s13;
	[dreg:$0x8] =	wrdreg s24  }
0x1e: {  	s15 =	simm.s32 $0x50;
	s17 =	sadd.s32 s20, s2;
	[dreg:$0x9] =	wrdreg s13  }
0x1f: {  	[dreg:$0xd] =	wrdreg s17;
	s24 =	sshll.u32 s28, $0x4;
	s28 =	sadd.s32 s25, s4  }
0x20: {  	s20 =	simm.s32 $0x16380;
	s17 =	sadd.s32 s12, s4;
	[dreg:$0x14] =	wrdreg s28  }
0x21: {  	s21 =	simm.s32 $0x164C0;
	s8 =	sadd.s32 s24, s4;
	[dreg:$0x12] =	wrdreg s17  }
0x22: {  	v0 =	vimm.f32 $0.0e+00;
	s12 =	simm.s32 $0x1CA00;
	[dreg:$0x13] =	wrdreg s8;
	s8 =	simm.s32 $0x2  }
.LBB2_1:
0x23: {  	s3 =	rddreg [dreg:$0x5];
	s13 =	simm.s32 $0x1F200  }
0x24: {  	[tilespmem:s13], [sflag:$0x4] =	stream.linear.gather [hbm4b:s3+s5], $0x10, $0x38;
	[tilespmem:$0x1F210] =	vst v63  }
0x25: {  	_ =	swait.ge [sflag:s0], $0x10  }
0x26: {  	[sflag:s0] =	ssyncset.done $0x0  }
0x27: {  	s25 =	rddreg [dreg:$0x6];
	[sflag:s0] =	ssyncadd.s32 $0xFFFFFFF0  }
0x28: {  	v1 =	vld [tilespmem:$0x1F200];
	[tilespmem:s20], [sflag:$0x1] =	stream.linear.gather [hbm4b:s25+s5], $0x50, $0x38  }
0x29: {  	s26 =	rddreg [dreg:$0x7]  }
0x2a: {  	[tilespmem:s21], [sflag:$0x1] =	stream.linear.gather [hbm4b:s26+s5], $0x50, $0x38;
	[tilespmem:$0x1F210] =	vst v63  }
0x2b: {  	s29 =	simm.s32 $0x163D0;
	s28 =	rddreg [dreg:$0x8]  }
0x2c: {  	[tilespmem:s29], [sflag:$0x1] =	stream.linear.gather [hbm4b:s28+s5], $0x50, $0x38;
	[tilespmem:$0x1F210] =	vst v63  }
0x2d: {  	s31 =	simm.s32 $0x16510;
	s13 =	simm.s32 $0x16620;
	s30 =	rddreg [dreg:$0x9]  }
0x2e: {  	[tilespmem:s31], [sflag:$0x1] =	stream.linear.gather [hbm4b:s30+s5], $0x50, $0x38;
	[tilespmem:$0x1F210] =	vst v63  }
0x2f: {  	[tilespmem:s13+$0xFFFFFFE0] =	vst v0  }
0x30: {  	[tilespmem:s13+$0x10] =	vst v0  }
0x31: {  	s16 =	simm.s32 $0x0;
	[tilespmem:s13+$0x0] =	vst v0  }
.LBB2_2:
0x32: {  	s16 =	sadd.s32 $0x4, s16  }
0x33: {  	[tilespmem:s13+$0xFFFFFFF0] =	vst v0;
	s13 =	sadd.s32 $0x40, s13;
	s3 =	simm.s32 $0x1CBF0;
	p0 =	slt.u32 s16, $0x9C  }
.Ltmp0:
0x34: {  	[tilespmem:s13+$0xFFFFFFE0] =	vst v0;
	(pc) =	sbr.rel @p0 .LBB2_2-.Ltmp0, $3  }
0x35: {  	_ =	sdelay $0x1  }
0x36: {  	[tilespmem:s13+$0x10] =	vst v0  }
0x37: {  	[tilespmem:s13+$0x0] =	vst v0  }
0x38: {  	[tilespmem:s13+$0xFFFFFFF0] =	vst v0  }
0x39: {  	[tilespmem:s3+$0xFFFFFE10] =	vst v0  }
0x3a: {  	[tilespmem:s3+$0x0] =	vst v0  }
0x3b: {  	[tilespmem:s3+$0xFFFFFFF0] =	vst v0  }
0x3c: {  	[tilespmem:s3+$0xFFFFFFE0] =	vst v0  }
0x3d: {  	[tilespmem:s3+$0xFFFFFFD0] =	vst v0  }
0x3e: {  	[tilespmem:s3+$0xFFFFFFC0] =	vst v0  }
0x3f: {  	[tilespmem:s3+$0xFFFFFFB0] =	vst v0  }
0x40: {  	[tilespmem:s3+$0xFFFFFFA0] =	vst v0  }
0x41: {  	[tilespmem:s3+$0xFFFFFF90] =	vst v0  }
0x42: {  	[tilespmem:s3+$0xFFFFFF80] =	vst v0  }
0x43: {  	[tilespmem:s3+$0xFFFFFF70] =	vst v0  }
0x44: {  	[tilespmem:s3+$0xFFFFFF60] =	vst v0  }
0x45: {  	[tilespmem:s3+$0xFFFFFF50] =	vst v0  }
0x46: {  	[tilespmem:s3+$0xFFFFFF40] =	vst v0  }
0x47: {  	[tilespmem:s3+$0xFFFFFF30] =	vst v0  }
0x48: {  	[tilespmem:s3+$0xFFFFFF20] =	vst v0  }
0x49: {  	[tilespmem:s3+$0xFFFFFF10] =	vst v0  }
0x4a: {  	[tilespmem:s3+$0xFFFFFF00] =	vst v0  }
0x4b: {  	[tilespmem:s3+$0xFFFFFEF0] =	vst v0  }
0x4c: {  	[tilespmem:s3+$0xFFFFFEE0] =	vst v0  }
0x4d: {  	[tilespmem:s3+$0xFFFFFED0] =	vst v0  }
0x4e: {  	[tilespmem:s3+$0xFFFFFEC0] =	vst v0  }
0x4f: {  	[tilespmem:s3+$0xFFFFFEB0] =	vst v0  }
0x50: {  	[tilespmem:s3+$0xFFFFFEA0] =	vst v0  }
0x51: {  	[tilespmem:s3+$0xFFFFFE90] =	vst v0  }
0x52: {  	[tilespmem:s3+$0xFFFFFE80] =	vst v0  }
0x53: {  	[tilespmem:s3+$0xFFFFFE70] =	vst v0  }
0x54: {  	[tilespmem:s3+$0xFFFFFE60] =	vst v0  }
0x55: {  	[tilespmem:s3+$0xFFFFFE50] =	vst v0  }
0x56: {  	[tilespmem:s3+$0xFFFFFE40] =	vst v0  }
0x57: {  	s13 =	simm.s32 $0x0;
	[tilespmem:s3+$0xFFFFFE30] =	vst v0  }
.LBB2_4:
0x58: {  	s13 =	sadd.s32 $0x4, s13;
	[tilespmem:s3+$0xFFFFFE20] =	vst v0;
	s3 =	sadd.s32 $0x200, s3  }
0x59: {  	[tilespmem:s3+$0xFFFFFE10] =	vst v0;
	p0 =	slt.u32 s13, $0x4C  }
0x5a: {  	[tilespmem:s3+$0x0] =	vst v0  }
0x5b: {  	[tilespmem:s3+$0xFFFFFFF0] =	vst v0  }
0x5c: {  	[tilespmem:s3+$0xFFFFFFE0] =	vst v0  }
0x5d: {  	[tilespmem:s3+$0xFFFFFFD0] =	vst v0  }
0x5e: {  	[tilespmem:s3+$0xFFFFFFC0] =	vst v0  }
0x5f: {  	[tilespmem:s3+$0xFFFFFFB0] =	vst v0  }
0x60: {  	[tilespmem:s3+$0xFFFFFFA0] =	vst v0  }
0x61: {  	[tilespmem:s3+$0xFFFFFF90] =	vst v0  }
0x62: {  	[tilespmem:s3+$0xFFFFFF80] =	vst v0  }
0x63: {  	[tilespmem:s3+$0xFFFFFF70] =	vst v0  }
0x64: {  	[tilespmem:s3+$0xFFFFFF60] =	vst v0  }
0x65: {  	[tilespmem:s3+$0xFFFFFF50] =	vst v0  }
0x66: {  	[tilespmem:s3+$0xFFFFFF40] =	vst v0  }
0x67: {  	[tilespmem:s3+$0xFFFFFF30] =	vst v0  }
0x68: {  	[tilespmem:s3+$0xFFFFFF20] =	vst v0  }
0x69: {  	[tilespmem:s3+$0xFFFFFF10] =	vst v0  }
0x6a: {  	[tilespmem:s3+$0xFFFFFF00] =	vst v0  }
0x6b: {  	[tilespmem:s3+$0xFFFFFEF0] =	vst v0  }
0x6c: {  	[tilespmem:s3+$0xFFFFFEE0] =	vst v0  }
0x6d: {  	[tilespmem:s3+$0xFFFFFED0] =	vst v0  }
0x6e: {  	[tilespmem:s3+$0xFFFFFEC0] =	vst v0  }
0x6f: {  	[tilespmem:s3+$0xFFFFFEB0] =	vst v0  }
0x70: {  	[tilespmem:s3+$0xFFFFFEA0] =	vst v0  }
0x71: {  	[tilespmem:s3+$0xFFFFFE90] =	vst v0  }
0x72: {  	[tilespmem:s3+$0xFFFFFE80] =	vst v0  }
.Ltmp1:
0x73: {  	[tilespmem:s3+$0xFFFFFE70] =	vst v0;
	(pc) =	sbr.rel @p0 .LBB2_4-.Ltmp1, $4  }
0x74: {  	[tilespmem:s3+$0xFFFFFE60] =	vst v0  }
0x75: {  	[tilespmem:s3+$0xFFFFFE50] =	vst v0  }
0x76: {  	[tilespmem:s3+$0xFFFFFE40] =	vst v0  }
0x77: {  	[tilespmem:s3+$0xFFFFFE30] =	vst v0  }
0x78: {  	[tilespmem:s3+$0xFFFFFE20] =	vst v0  }
0x79: {  	[spmem:s19] =	stream.linear.scatter [tilespmem:s12], [sflag:$0x4], $0x2800, $0x38;
	[tilespmem:$0x1F210] =	vst v63  }
0x7a: {  	_ =	swait.ge [sflag:s0], $0x2800  }
0x7b: {  	[sflag:s0] =	ssyncset.done $0x0  }
0x7c: {  	s13 =	rddreg [dreg:$0xe];
	[sflag:s0] =	ssyncadd.s32 $0xFFFFD800  }
0x7d: {  	[spmem:s13] =	stream.linear.scatter [tilespmem:s12], [sflag:$0x4], $0x2800, $0x38;
	[tilespmem:$0x1F210] =	vst v63  }
0x7e: {  	_ =	swait.ge [sflag:s0], $0x2800  }
0x7f: {  	[sflag:s0] =	ssyncset.done $0x0  }
0x80: {  	s16 =	rddreg [dreg:$0xb];
	[sflag:s0] =	ssyncadd.s32 $0xFFFFD800  }
0x81: {  	[spmem:s16] =	stream.linear.scatter [tilespmem:s12], [sflag:$0x4], $0x2800, $0x38;
	[tilespmem:$0x1F210] =	vst v63  }
0x82: {  	_ =	swait.ge [sflag:s0], $0x2800  }
0x83: {  	[sflag:s0] =	ssyncset.done $0x0  }
0x84: {  	s19 =	rddreg [dreg:$0xf];
	[sflag:s0] =	ssyncadd.s32 $0xFFFFD800  }
0x85: {  	[spmem:s19] =	stream.linear.scatter [tilespmem:s12], [sflag:$0x4], $0x2800, $0x38;
	[tilespmem:$0x1F210] =	vst v63  }
0x86: {  	_ =	swait.ge [sflag:s0], $0x2800  }
0x87: {  	[sflag:s0] =	ssyncset.done $0x0  }
0x88: {  	s22 =	rddreg [dreg:$0xc];
	[sflag:s0] =	ssyncadd.s32 $0xFFFFD800  }
0x89: {  	[spmem:s22] =	stream.linear.scatter [tilespmem:s12], [sflag:$0x4], $0x2800, $0x38;
	[tilespmem:$0x1F210] =	vst v63  }
0x8a: {  	_ =	swait.ge [sflag:s0], $0x2800  }
0x8b: {  	[sflag:s0] =	ssyncset.done $0x0  }
0x8c: {  	s23 =	rddreg [dreg:$0x10];
	[sflag:s0] =	ssyncadd.s32 $0xFFFFD800  }
0x8d: {  	[spmem:s23] =	stream.linear.scatter [tilespmem:s12], [sflag:$0x4], $0x2800, $0x38;
	[tilespmem:$0x1F210] =	vst v63  }
0x8e: {  	_ =	swait.ge [sflag:s0], $0x2800  }
0x8f: {  	[sflag:s0] =	ssyncset.done $0x0  }
0x90: {  	s24 =	rddreg [dreg:$0xd];
	[sflag:s0] =	ssyncadd.s32 $0xFFFFD800  }
0x91: {  	[spmem:s24] =	stream.linear.scatter [tilespmem:s12], [sflag:$0x4], $0x2800, $0x38;
	[tilespmem:$0x1F210] =	vst v63  }
0x92: {  	_ =	swait.ge [sflag:s0], $0x2800  }
0x93: {  	[sflag:s0] =	ssyncset.done $0x0  }
0x94: {  	s25 =	rddreg [dreg:$0x11];
	[sflag:s0] =	ssyncadd.s32 $0xFFFFD800  }
0x95: {  	[spmem:s25] =	stream.linear.scatter [tilespmem:s12], [sflag:$0x4], $0x2400, $0x38;
	[tilespmem:$0x1F210] =	vst v63  }
0x96: {  	_ =	swait.ge [sflag:s0], $0x2400  }
0x97: {  	[sflag:s0] =	ssyncset.done $0x0  }
0x98: {  	s13 =	simm.s32 $0x16600;
	[sflag:s0] =	ssyncadd.s32 $0xFFFFDC00  }
0x99: {  	[spmem:s17] =	stream.linear.scatter [tilespmem:s13], [sflag:$0x4], $0xA00, $0x38;
	[tilespmem:$0x1F210] =	vst v63  }
0x9a: {  	_ =	swait.ge [sflag:s0], $0xA00  }
0x9b: {  	[sflag:s0] =	ssyncset.done $0x0  }
0x9c: {  	s26 =	rddreg [dreg:$0x13];
	[sflag:s0] =	ssyncadd.s32 $0xFFFFF600  }
0x9d: {  	[spmem:s26] =	stream.linear.scatter [tilespmem:s13], [sflag:$0x4], $0xA00, $0x38;
	[tilespmem:$0x1F210] =	vst v63  }
0x9e: {  	_ =	swait.ge [sflag:s0], $0xA00  }
0x9f: {  	[sflag:s0] =	ssyncset.done $0x0  }
0xa0: {  	s28 =	rddreg [dreg:$0x14];
	[sflag:s0] =	ssyncadd.s32 $0xFFFFF600  }
0xa1: {  	[spmem:s28] =	stream.linear.scatter [tilespmem:s13], [sflag:$0x4], $0xA00, $0x38;
	[tilespmem:$0x1F210] =	vst v63  }
0xa2: {  	_ =	swait.ge [sflag:s0], $0xA00  }
0xa3: {  	[sflag:s0] =	ssyncset.done $0x0  }
0xa4: {  	s29 =	rddreg [dreg:$0x15];
	[sflag:s0] =	ssyncadd.s32 $0xFFFFF600  }
0xa5: {  	[spmem:s29] =	stream.linear.scatter [tilespmem:s13], [sflag:$0x4], $0x980, $0x38;
	[tilespmem:$0x1F210] =	vst v63  }
0xa6: {  	_ =	swait.ge [sflag:s0], $0x980  }
0xa7: {  	[sflag:s0] =	ssyncset.done $0x0  }
0xa8: {  	[sflag:s0] =	ssyncadd.s32 $0xFFFFF680  }
0xa9: {  	_ =	swait.ge [sflag:s14], $0x50  }
0xaa: {  	[sflag:s14] =	ssyncset.done $0x0  }
0xab: {  	[sflag:s14] =	ssyncadd.s32 $0xFFFFFFB0  }
0xac: {  	_ =	swait.ge [sflag:s14], $0x50  }
0xad: {  	[sflag:s14] =	ssyncset.done $0x0  }
0xae: {  	[sflag:s14] =	ssyncadd.s32 $0xFFFFFFB0  }
0xaf: {  	[tilespmem:s13], [sflag:$0x2] =	stream.indirect.gather [hbm4b:s6+s15], $0x10, s20, s15, $0xb8;
	[tilespmem:$0x1F210] =	vst v63  }
0xb0: {  	s30 =	simm.s32 $0x17000  }
0xb1: {  	[tilespmem:s30], [sflag:$0x2] =	stream.indirect.gather [hbm4b:s7+s15], $0x10, s21, s15, $0xb8;
	[tilespmem:$0x1F210] =	vst v63  }
0xb2: {  	s31 =	simm.s32 $0x17A00  }
0xb3: {  	[tilespmem:s31], [sflag:$0x2] =	stream.indirect.gather [hbm4b:s1+s15], $0x40, s20, s15, $0xb8;
	[tilespmem:$0x1F210] =	vst v63  }
0xb4: {  	p0 =	por $0x0, $0x0;
	s19 =	simm.s32 $0x0;
	[bflag:$0x0] =	sbarrier.arrive $0xFFFF  }
.LBB2_6:
0xb5: {  	_ =	swait.ge [sflag:s8], $0x500  }
0xb6: {  	[sflag:s8] =	ssyncset.done $0x0  }
0xb7: {  	[sflag:s8] =	ssyncadd.s32 $0xFFFFFB00  }
0xb8: {  	_ =	swait.ge [sflag:s8], $0x500  }
0xb9: {  	[sflag:s8] =	ssyncset.done $0x0  }
0xba: {  	[sflag:s8] =	ssyncadd.s32 $0xFFFFFB00  }
0xbb: {  	_ =	swait.ge [sflag:s8], $0x1400  }
0xbc: {  	[sflag:s8] =	ssyncset.done $0x0  }
0xbd: {  	[sflag:s8] =	ssyncadd.s32 $0xFFFFEC00  }
0xbe: {  	_ =	swait.ge [sflag:s14], $0x50  }
0xbf: {  	[sflag:s14] =	ssyncset.done $0x0  }
0xc0: {  	[sflag:s14] =	ssyncadd.s32 $0xFFFFFFB0  }
0xc1: {  	_ =	swait.ge [sflag:s14], $0x50  }
0xc2: {  	p1 =	seq.s32 s19, $0x0;
	[sflag:s14] =	ssyncset.done $0x0  }
0xc3: {  	s20 =	sadd.s32 $0x1, s19;
	s13 =	simm.s32 @!p1 $0x3;
	[sflag:s14] =	ssyncadd.s32 $0xFFFFFFB0  }
0xc4: {  	s3 =	simm.s32 $0x1;
	s16 =	sand.u32 $0x1, s20;
	_ =	swait.ge @!p1 [sflag:s13], $0x500  }
0xc5: {  	s17 =	sand.u32 $0x3, s20;
	s21 =	smul.u32 $0x500, s16;
	[sflag:s13] =	ssyncset.done @!p1 $0x0  }
0xc6: {  	s3 =	simm.s32 @!p0 $0x0;
	s17 =	smul.u32 $0x50, s17;
	[sflag:s13] =	ssyncadd.s32 @!p1 $0xFFFFFB00  }
0xc7: {  	s22 =	smul.u32 $0x1400, s3;
	_ =	swait.ge @!p1 [sflag:s13], $0x2800  }
0xc8: {  	s16 =	smul.u32 $0x5000, s16;
	s25 =	sadd.s32 $0x16600, s21;
	[sflag:s13] =	ssyncset.done @!p1 $0x0  }
0xc9: {  	s23 =	sadd.s32 $0x16380, s17;
	s26 =	sor.u32 $0x17000, s21;
	[sflag:s13] =	ssyncadd.s32 @!p1 $0xFFFFD800  }
0xca: {  	[tilespmem:s25], [sflag:$0x2] =	stream.indirect.gather [hbm4b:s6+s15], $0x10, s23, s15, $0xb8;
	[tilespmem:$0x1F210] =	vst v63  }
0xcb: {  	s17 =	sadd.s32 $0x164C0, s17;
	s21 =	sshrl.u32 s22, $0x2;
	s16 =	sshrl.u32 s16, $0x2  }
0xcc: {  	[tilespmem:s26], [sflag:$0x2] =	stream.indirect.gather [hbm4b:s7+s15], $0x10, s17, s15, $0xb8;
	[tilespmem:$0x1F210] =	vst v63  }
0xcd: {  	s22 =	sadd.s32 $0x16620, s21;
	s16 =	sadd.s32 $0x17A00, s16  }
0xce: {  	[tilespmem:s16], [sflag:$0x2] =	stream.indirect.gather [hbm4b:s1+s15], $0x40, s23, s15, $0xb8;
	[tilespmem:$0x1F210] =	vst v63  }
0xcf: {  	s13 =	sor.u32 $0x17020, s21;
	v2 =	vld [tilespmem:s22+$0x10]  }
0xd0: {  	v3 =	vld [tilespmem:s13+$0x10];
	_ =	sdelay $0x4  }
0xd1: {  	v2 =	vadd.f32 v3, v2;
	_ =	sdelay $0x1  }
0xd2: {  	v3 =	vmul.f32 $2.000000030e-01, v2  }
0xd3: {  	v4 =	vld [tilespmem:s22+$0xFFFFFFF0]  }
0xd4: {  	v5 =	vld [tilespmem:s13+$0xFFFFFFF0];
	v2 =	vmax.f32 v2, v3  }
0xd5: {  	v6 =	vld [tilespmem:s13+$0x0];
	v2 =	vsub.f32 v2, v1  }
0xd6: {  	v3 =	vld [tilespmem:s22+$0x0]  }
0xd7: {  	v2 =	vmul.f32 $1.442695020e+00, v2;
	_ =	sdelay $0x1  }
0xd8: {  	v7 =	vld [tilespmem:s13+$0xFFFFFFE0];
	(erf) = vpow2.f32 v2  }
0xd9: {  	v8 =	vld [tilespmem:s22+$0xFFFFFFE0];
	v4 =	vadd.f32 v5, v4  }
0xda: {  	v3 =	vadd.f32 v6, v3  }
0xdb: {  	v2 =	vmul.f32 $2.000000030e-01, v4  }
0xdc: {  	v5 =	vmul.f32 $2.000000030e-01, v3  }
0xdd: {  	v2 =	vmax.f32 v4, v2  }
0xde: {  	v4 =	vadd.f32 v7, v8;
	v2 =	vsub.f32 v2, v1;
	v3 =	vmax.f32 v3, v5  }
0xdf: {  	s24 =	smul.u32 $0x5000, s3;
	v3 =	vsub.f32 v3, v1  }
0xe0: {  	v5 =	vmul.f32 $2.000000030e-01, v4;
	v2 =	vmul.f32 $1.442695020e+00, v2  }
0xe1: {  	s16 =	sshrl.u32 s24, $0x2;
	v3 =	vmul.f32 $1.442695020e+00, v3;
	v13 =	vpop (erf)  }
0xe2: {  	s30 =	sadd.s32 $0x17AF8, s16;
	v4 =	vmax.f32 v4, v5;
	(erf) = vpow2.f32 v2;
	[tilespmem:s22+$0x10] =	vst v13  }
0xe3: {  	v2 =	vsub.f32 v4, v1;
	(erf) = vpow2.f32 v3;
	v3 =	vld.msk [tilespmem:s30+$0xFFFFFFC8], $0xff;
	_ =	sdelay $0x1  }
0xe4: {  	v2 =	vmul.f32 $1.442695020e+00, v2;
	_ =	sdelay $0x1  }
0xe5: {  	(erf) = vpow2.f32 v2  }
0xe6: {  	s3 =	smul.u32 $0xA000, s3;
	v2 =	vunpack.c.l.bf16.f32 v3;
	_ =	sdelay $0x1  }
0xe7: {  	s3 =	sshrl.u32 s3, $0x2;
	v2 =	vmul.f32 v13, v2  }
0xe8: {  	s21 =	sadd.s32 $0x1A300, s3;
	s26 =	sadd.s32 $0x40, s13  }
0xe9: {  	v6 =	vld [tilespmem:s26+$0x10];
	[tilespmem:s21+$0x80] =	vst v2  }
0xea: {  	s25 =	sadd.s32 $0x40, s22;
	v2 =	vld.msk [tilespmem:s30+$0xFFFFFFD0], $0xff  }
0xeb: {  	v5 =	vld [tilespmem:s25+$0x10];
	v12 =	vpop (erf)  }
0xec: {  	v11 =	vpop (erf)  }
0xed: {  	v14 =	vpop (erf)  }
0xee: {  	v9 =	vld [tilespmem:s25+$0xFFFFFFF0];
	[tilespmem:s22+$0xFFFFFFE0] =	vst v14  }
0xef: {  	v7 =	vld.msk [tilespmem:s30+$0xFFFFFF08], $0xff;
	v2 =	vunpack.c.l.bf16.f32 v2  }
0xf0: {  	v10 =	vld [tilespmem:s26+$0xFFFFFFF0];
	v5 =	vadd.f32 v6, v5  }
0xf1: {  	v15 =	vld [tilespmem:s25+$0x0];
	v2 =	vmul.f32 v2, v13  }
0xf2: {  	v6 =	vld [tilespmem:s26+$0x0];
	v16 =	vmul.f32 $2.000000030e-01, v5;
	[tilespmem:s22+$0xFFFFFFF0] =	vst v12  }
0xf3: {  	v3 =	vld.msk [tilespmem:s30+$0xFFFFFF48], $0xff;
	[tilespmem:s21+$0x90] =	vst v2  }
0xf4: {  	v5 =	vmax.f32 v5, v16;
	[tilespmem:s22+$0x0] =	vst v11;
	v2 =	vunpack.c.l.bf16.f32 v7;
	v7 =	vld.msk [tilespmem:s30+$0xFFFFFFD8], $0xff  }
0xf5: {  	v5 =	vsub.f32 v5, v1;
	v4 =	vld.msk [tilespmem:s30+$0xFFFFFF88], $0xff  }
0xf6: {  	v17 =	vld [tilespmem:s25+$0xFFFFFFE0]  }
0xf7: {  	v8 =	vld [tilespmem:s26+$0xFFFFFFE0];
	v5 =	vmul.f32 $1.442695020e+00, v5;
	v2 =	vmul.f32 v14, v2  }
0xf8: {  	v3 =	vunpack.c.l.bf16.f32 v3  }
0xf9: {  	v9 =	vadd.f32 v10, v9;
	(erf) = vpow2.f32 v5;
	[tilespmem:s21+$0xFFFFFF00] =	vst v2;
	v7 =	vunpack.c.l.bf16.f32 v7  }
0xfa: {  	v4 =	vunpack.c.l.bf16.f32 v4;
	v3 =	vmul.f32 v12, v3;
	v2 =	vadd.f32 v6, v15;
	v6 =	vld.msk [tilespmem:s30+$0xFFFFFF10], $0xff  }
0xfb: {  	v10 =	vmul.f32 $2.000000030e-01, v9;
	v7 =	vmul.f32 v7, v13  }
0xfc: {  	v8 =	vadd.f32 v8, v17;
	v4 =	vmul.f32 v11, v4;
	[tilespmem:s21+$0xFFFFFF80] =	vst v3;
	v3 =	vmul.f32 $2.000000030e-01, v2  }
0xfd: {  	v9 =	vmax.f32 v9, v10;
	v15 =	vld.msk [tilespmem:s30+$0xFFFFFF50], $0xff;
	[tilespmem:s21+$0xA0] =	vst v7  }
0xfe: {  	[tilespmem:s21+$0x0] =	vst v4;
	v4 =	vsub.f32 v9, v1;
	v2 =	vmax.f32 v2, v3;
	v3 =	vmul.f32 $2.000000030e-01, v8;
	v7 =	vld.msk [tilespmem:s30+$0xFFFFFFE0], $0xff  }
0xff: {  	v5 =	vld.msk [tilespmem:s30+$0xFFFFFF90], $0xff;
	v6 =	vunpack.c.l.bf16.f32 v6  }
0x100: {  	v4 =	vmul.f32 $1.442695020e+00, v4;
	v2 =	vsub.f32 v2, v1;
	v3 =	vmax.f32 v8, v3  }
0x101: {  	v3 =	vsub.f32 v3, v1;
	v6 =	vmul.f32 v6, v14  }
0x102: {  	(erf) = vpow2.f32 v4;
	v2 =	vmul.f32 $1.442695020e+00, v2  }
0x103: {  	v8 =	vunpack.c.l.bf16.f32 v15;
	v15 =	vpop (erf);
	v3 =	vmul.f32 $1.442695020e+00, v3;
	[tilespmem:s21+$0xFFFFFF10] =	vst v6;
	v6 =	vunpack.c.l.bf16.f32 v7  }
0x104: {  	s23 =	sadd.s32 $0x100, s30;
	[tilespmem:s25+$0x10] =	vst v15;
	(erf) = vpow2.f32 v2;
	v2 =	vunpack.c.l.bf16.f32 v5;
	v5 =	vld.msk [tilespmem:s30+$0xFFFFFF18], $0xff  }
0x105: {  	(erf) = vpow2.f32 v3;
	v3 =	vmul.f32 v6, v13;
	v6 =	vld.msk [tilespmem:s23+$0xFFFFFFC8], $0xff  }
0x106: {  	s3 =	sadd.s32 $0x40, s25  }
0x107: {  	s17 =	sadd.s32 $0x40, s26;
	v18 =	vld [tilespmem:s3+$0x10]  }
0x108: {  	v19 =	vld [tilespmem:s17+$0x10];
	v2 =	vmul.f32 v2, v11  }
0x109: {  	v20 =	vld [tilespmem:s3+$0xFFFFFFF0]  }
0x10a: {  	v21 =	vld [tilespmem:s17+$0xFFFFFFF0];
	v4 =	vmul.f32 v8, v12;
	[tilespmem:s21+$0x10] =	vst v2;
	v2 =	vunpack.c.l.bf16.f32 v5;
	v6 =	vunpack.c.l.bf16.f32 v6  }
0x10b: {  	v7 =	vld.msk [tilespmem:s30+$0xFFFFFF98], $0xff  }
0x10c: {  	v22 =	vld [tilespmem:s3+$0x0];
	[tilespmem:s21+$0xFFFFFF90] =	vst v4;
	v6 =	vmul.f32 v15, v6  }
0x10d: {  	s22 =	sadd.s32 $0x200, s21;
	v4 =	vld.msk [tilespmem:s30+$0xFFFFFF58], $0xff;
	[tilespmem:s21+$0xB0] =	vst v3;
	v3 =	vpop (erf)  }
0x10e: {  	v5 =	vld.msk [tilespmem:s30+$0xFFFFFFE8], $0xff;
	v8 =	vmul.f32 v2, v14;
	v2 =	vpop (erf);
	[tilespmem:s22+$0x80] =	vst v6  }
0x10f: {  	[tilespmem:s25+$0xFFFFFFF0] =	vst v3;
	v16 =	vpop (erf);
	v6 =	vld.msk [tilespmem:s23+$0xFFFFFFD0], $0xff  }
0x110: {  	v7 =	vunpack.c.l.bf16.f32 v7;
	v9 =	vld.msk [tilespmem:s23+$0xFFFFFF48], $0xff;
	[tilespmem:s25+$0xFFFFFFE0] =	vst v16  }
0x111: {  	[tilespmem:s25+$0x0] =	vst v2;
	v17 =	vld.msk [tilespmem:s23+$0xFFFFFF08], $0xff  }
0x112: {  	v4 =	vunpack.c.l.bf16.f32 v4;
	v7 =	vmul.f32 v7, v11;
	v10 =	vld.msk [tilespmem:s23+$0xFFFFFF88], $0xff  }
0x113: {  	v23 =	vld [tilespmem:s17+$0x0];
	[tilespmem:s21+$0xFFFFFF20] =	vst v8  }
0x114: {  	v18 =	vadd.f32 v19, v18;
	v4 =	vmul.f32 v4, v12;
	v8 =	vld.msk [tilespmem:s30+$0xFFFFFF20], $0xff;
	[tilespmem:s21+$0x20] =	vst v7;
	v6 =	vunpack.c.l.bf16.f32 v6  }
0x115: {  	v5 =	vunpack.c.l.bf16.f32 v5;
	v7 =	vld.msk [tilespmem:s30+$0xFFFFFFA0], $0xff  }
0x116: {  	v24 =	vld [tilespmem:s17+$0xFFFFFFE0];
	v19 =	vmul.f32 $2.000000030e-01, v18;
	[tilespmem:s21+$0xFFFFFFA0] =	vst v4;
	v17 =	vunpack.c.l.bf16.f32 v17;
	v6 =	vmul.f32 v6, v15  }
0x117: {  	v4 =	vld.msk [tilespmem:s30+$0xFFFFFF60], $0xff;
	v5 =	vmul.f32 v5, v13;
	v9 =	vunpack.c.l.bf16.f32 v9;
	v10 =	vunpack.c.l.bf16.f32 v10  }
0x118: {  	v25 =	vld [tilespmem:s3+$0xFFFFFFE0];
	v18 =	vmax.f32 v18, v19;
	v17 =	vmul.f32 v16, v17;
	[tilespmem:s22+$0x90] =	vst v6  }
0x119: {  	v19 =	vadd.f32 v23, v22;
	[tilespmem:s21+$0xC0] =	vst v5;
	v6 =	vmul.f32 v3, v9;
	v9 =	vmul.f32 v2, v10;
	v10 =	vld.msk [tilespmem:s23+$0xFFFFFFD8], $0xff  }
0x11a: {  	v8 =	vunpack.c.l.bf16.f32 v8;
	v5 =	vld.msk [tilespmem:s30+$0xFFFFFFF0], $0xff;
	v7 =	vunpack.c.l.bf16.f32 v7  }
0x11b: {  	v18 =	vsub.f32 v18, v1;
	v22 =	vmul.f32 $2.000000030e-01, v19;
	[tilespmem:s22+$0xFFFFFF00] =	vst v17;
	v17 =	vadd.f32 v21, v20  }
0x11c: {  	v4 =	vunpack.c.l.bf16.f32 v4;
	v8 =	vmul.f32 v8, v14;
	[tilespmem:s22+$0xFFFFFF80] =	vst v6;
	v6 =	vmul.f32 v7, v11;
	v7 =	vld.msk [tilespmem:s23+$0xFFFFFF10], $0xff  }
0x11d: {  	v19 =	vmax.f32 v19, v22;
	v20 =	vmul.f32 $2.000000030e-01, v17;
	[tilespmem:s22+$0x0] =	vst v9;
	v9 =	vmul.f32 $1.442695020e+00, v18;
	v21 =	vld.msk [tilespmem:s23+$0xFFFFFF50], $0xff  }
0x11e: {  	v4 =	vmul.f32 v4, v12;
	[tilespmem:s21+$0xFFFFFF30] =	vst v8;
	v18 =	vadd.f32 v24, v25;
	v8 =	vld.msk [tilespmem:s23+$0xFFFFFF90], $0xff;
	v10 =	vunpack.c.l.bf16.f32 v10  }
0x11f: {  	v5 =	vunpack.c.l.bf16.f32 v5;
	v17 =	vmax.f32 v17, v20;
	v20 =	vld.msk [tilespmem:s30+$0xFFFFFF28], $0xff;
	(erf) = vpow2.f32 v9  }
0x120: {  	v19 =	vsub.f32 v19, v1;
	[tilespmem:s21+$0xFFFFFFB0] =	vst v4;
	v9 =	vmul.f32 $2.000000030e-01, v18;
	v10 =	vmul.f32 v10, v15  }
0x121: {  	v5 =	vmul.f32 v5, v13;
	v17 =	vsub.f32 v17, v1;
	[tilespmem:s21+$0x30] =	vst v6;
	v6 =	vld.msk [tilespmem:s30+$0xFFFFFF68], $0xff;
	v7 =	vunpack.c.l.bf16.f32 v7  }
0x122: {  	v9 =	vmax.f32 v18, v9;
	v18 =	vmul.f32 $1.442695020e+00, v19;
	v19 =	vld.msk [tilespmem:s30+$0xFFFFFFA8], $0xff;
	v4 =	vunpack.c.l.bf16.f32 v21;
	[tilespmem:s22+$0xA0] =	vst v10  }
0x123: {  	s13 =	sadd.s32 $0x40, s3;
	v17 =	vmul.f32 $1.442695020e+00, v17;
	v8 =	vunpack.c.l.bf16.f32 v8;
	v7 =	vmul.f32 v7, v16;
	v10 =	vld.msk [tilespmem:s23+$0xFFFFFFE0], $0xff  }
0x124: {  	v26 =	vld [tilespmem:s13+$0x10];
	[tilespmem:s21+$0xD0] =	vst v5;
	v9 =	vsub.f32 v9, v1;
	v5 =	vunpack.c.l.bf16.f32 v20;
	v4 =	vmul.f32 v4, v3  }
0x125: {  	v29 =	vld [tilespmem:s13+$0xFFFFFFF0];
	(erf) = vpow2.f32 v17;
	v8 =	vmul.f32 v8, v2;
	[tilespmem:s22+$0xFFFFFF10] =	vst v7  }
0x126: {  	v31 =	vld [tilespmem:s13+$0x0];
	v9 =	vmul.f32 $1.442695020e+00, v9;
	v5 =	vmul.f32 v5, v14;
	[tilespmem:s22+$0xFFFFFF90] =	vst v4  }
0x127: {  	(erf) = vpow2.f32 v18;
	v6 =	vunpack.c.l.bf16.f32 v6;
	v7 =	vld.msk [tilespmem:s23+$0xFFFFFF18], $0xff;
	[tilespmem:s22+$0x10] =	vst v8  }
0x128: {  	(erf) = vpow2.f32 v9;
	v8 =	vunpack.c.l.bf16.f32 v19;
	[tilespmem:s21+$0xFFFFFF40] =	vst v5;
	v9 =	vld.msk [tilespmem:s23+$0xFFFFFF58], $0xff;
	v17 =	vpop (erf);
	v4 =	vunpack.c.l.bf16.f32 v10  }
0x129: {  	v33 =	vld [tilespmem:s13+$0xFFFFFFE0];
	s25 =	sadd.s32 $0x100, s23;
	v5 =	vmul.f32 v6, v12;
	[tilespmem:s3+$0x10] =	vst v17  }
0x12a: {  	v6 =	vmul.f32 v8, v11;
	v8 =	vld.msk [tilespmem:s25+$0xFFFFFFC8], $0xff;
	v4 =	vmul.f32 v4, v15  }
0x12b: {  	s24 =	sadd.s32 $0x40, s13;
	v10 =	vld.msk [tilespmem:s23+$0xFFFFFF98], $0xff  }
0x12c: {  	v34 =	vld [tilespmem:s24+$0x10];
	v7 =	vunpack.c.l.bf16.f32 v7;
	[tilespmem:s22+$0xB0] =	vst v4  }
0x12d: {  	[tilespmem:s21+$0x40] =	vst v6;
	v6 =	vunpack.c.l.bf16.f32 v9;
	v20 =	vld.msk [tilespmem:s23+$0xFFFFFFE8], $0xff  }
0x12e: {  	v18 =	vld.msk [tilespmem:s30+$0xFFFFFFF8], $0xff;
	v7 =	vmul.f32 v7, v16  }
0x12f: {  	v19 =	vld.msk [tilespmem:s30+$0xFFFFFF30], $0xff;
	[tilespmem:s21+$0xFFFFFFC0] =	vst v5;
	v23 =	vmul.f32 v6, v3;
	v8 =	vunpack.c.l.bf16.f32 v8  }
0x130: {  	v21 =	vld.msk [tilespmem:s30+$0xFFFFFF70], $0xff;
	v10 =	vunpack.c.l.bf16.f32 v10;
	[tilespmem:s22+$0xFFFFFF20] =	vst v7  }
0x131: {  	v9 =	vld.msk [tilespmem:s30+$0xFFFFFFB0], $0xff;
	v4 =	vpop (erf);
	v8 =	vmul.f32 v17, v8;
	[tilespmem:s22+$0xFFFFFFA0] =	vst v23  }
0x132: {  	s26 =	sadd.s32 $0x200, s22;
	[tilespmem:s3+$0xFFFFFFF0] =	vst v4;
	v7 =	vmul.f32 v10, v2;
	v10 =	vld.msk [tilespmem:s23+$0xFFFFFF20], $0xff;
	v20 =	vunpack.c.l.bf16.f32 v20  }
0x133: {  	v5 =	vpop (erf);
	v23 =	vld.msk [tilespmem:s23+$0xFFFFFF60], $0xff;
	[tilespmem:s26+$0x80] =	vst v8  }
0x134: {  	v19 =	vunpack.c.l.bf16.f32 v19;
	v6 =	vpop (erf);
	[tilespmem:s22+$0x20] =	vst v7;
	v7 =	vmul.f32 v20, v15;
	v20 =	vld.msk [tilespmem:s25+$0xFFFFFFD0], $0xff  }
0x135: {  	v22 =	vld.msk [tilespmem:s25+$0xFFFFFF48], $0xff;
	[tilespmem:s3+$0xFFFFFFE0] =	vst v6  }
0x136: {  	v19 =	vmul.f32 v19, v14;
	v25 =	vld.msk [tilespmem:s25+$0xFFFFFF08], $0xff;
	[tilespmem:s22+$0xC0] =	vst v7  }
0x137: {  	[tilespmem:s3+$0x0] =	vst v5;
	s3 =	sadd.s32 $0x40, s17;
	v7 =	vld.msk [tilespmem:s23+$0xFFFFFFF0], $0xff  }
0x138: {  	[tilespmem:s21+$0xFFFFFF50] =	vst v19;
	v27 =	vld [tilespmem:s3+$0x10]  }
0x139: {  	v18 =	vunpack.c.l.bf16.f32 v18;
	v19 =	vld.msk [tilespmem:s30+$0xFFFFFF38], $0xff;
	v20 =	vunpack.c.l.bf16.f32 v20  }
0x13a: {  	v21 =	vunpack.c.l.bf16.f32 v21;
	v9 =	vunpack.c.l.bf16.f32 v9;
	v24 =	vld.msk [tilespmem:s25+$0xFFFFFF88], $0xff  }
0x13b: {  	v18 =	vmul.f32 v18, v13;
	v8 =	vld.msk [tilespmem:s23+$0xFFFFFFA0], $0xff;
	v22 =	vunpack.c.l.bf16.f32 v22;
	v20 =	vmul.f32 v20, v17  }
0x13c: {  	v21 =	vmul.f32 v21, v12;
	v9 =	vmul.f32 v9, v11;
	v30 =	vld [tilespmem:s3+$0xFFFFFFF0];
	v7 =	vunpack.c.l.bf16.f32 v7  }
0x13d: {  	v32 =	vld [tilespmem:s3+$0x0];
	[tilespmem:s26+$0x90] =	vst v20;
	v20 =	vmul.f32 v4, v22;
	v22 =	vunpack.c.l.bf16.f32 v25;
	v25 =	vadd.f32 v27, v26  }
0x13e: {  	[tilespmem:s21+$0xE0] =	vst v18;
	v10 =	vunpack.c.l.bf16.f32 v10;
	v23 =	vunpack.c.l.bf16.f32 v23;
	v7 =	vmul.f32 v7, v15;
	v26 =	vld.msk [tilespmem:s25+$0xFFFFFFD8], $0xff  }
0x13f: {  	v28 =	vld [tilespmem:s3+$0xFFFFFFE0];
	v24 =	vunpack.c.l.bf16.f32 v24;
	v22 =	vmul.f32 v6, v22;
	v27 =	vmul.f32 $2.000000030e-01, v25;
	[tilespmem:s26+$0xFFFFFF80] =	vst v20  }
0x140: {  	v35 =	vld [tilespmem:s24+$0xFFFFFFF0];
	v19 =	vunpack.c.l.bf16.f32 v19;
	v10 =	vmul.f32 v10, v16;
	v18 =	vmul.f32 v23, v3;
	[tilespmem:s22+$0xD0] =	vst v7  }
0x141: {  	v7 =	vmul.f32 v5, v24;
	v24 =	vld.msk [tilespmem:s23+$0xFFFFFFF8], $0xff;
	[tilespmem:s26+$0xFFFFFF00] =	vst v22;
	v22 =	vadd.f32 v30, v29;
	v25 =	vmax.f32 v25, v27  }
0x142: {  	v19 =	vmul.f32 v19, v14;
	v27 =	vadd.f32 v32, v31;
	v29 =	vld.msk [tilespmem:s25+$0xFFFFFF50], $0xff;
	v25 =	vsub.f32 v25, v1  }
0x143: {  	v8 =	vunpack.c.l.bf16.f32 v8;
	v20 =	vld.msk [tilespmem:s25+$0xFFFFFF10], $0xff;
	[tilespmem:s26+$0x0] =	vst v7;
	v7 =	vmul.f32 $2.000000030e-01, v22;
	v26 =	vunpack.c.l.bf16.f32 v26  }
0x144: {  	v28 =	vadd.f32 v28, v33;
	[tilespmem:s22+$0xFFFFFF30] =	vst v10;
	v30 =	vmul.f32 $2.000000030e-01, v27;
	v10 =	vld.msk [tilespmem:s25+$0xFFFFFF90], $0xff;
	v25 =	vmul.f32 $1.442695020e+00, v25  }
0x145: {  	v61 =	vld [tilespmem:s24+$0xFFFFFFE0];
	[tilespmem:s21+$0xFFFFFFD0] =	vst v21;
	v8 =	vmul.f32 v8, v2;
	v7 =	vmax.f32 v22, v7;
	v22 =	vmul.f32 v26, v17  }
0x146: {  	[tilespmem:s22+$0xFFFFFFB0] =	vst v18;
	v18 =	vld.msk [tilespmem:s23+$0xFFFFFF28], $0xff;
	v26 =	vmax.f32 v27, v30;
	v24 =	vunpack.c.l.bf16.f32 v24;
	(erf) = vpow2.f32 v25  }
0x147: {  	v23 =	vld.msk [tilespmem:s30+$0x0], $0xff;
	v25 =	vmul.f32 $2.000000030e-01, v28;
	v7 =	vsub.f32 v7, v1;
	v26 =	vsub.f32 v26, v1;
	[tilespmem:s26+$0xA0] =	vst v22  }
0x148: {  	[tilespmem:s21+$0x50] =	vst v9;
	v21 =	vunpack.c.l.bf16.f32 v29;
	v20 =	vunpack.c.l.bf16.f32 v20;
	v24 =	vmul.f32 v24, v15;
	v22 =	vld.msk [tilespmem:s25+$0xFFFFFFE0], $0xff  }
0x149: {  	[tilespmem:s22+$0x30] =	vst v8;
	v8 =	vld.msk [tilespmem:s23+$0xFFFFFF68], $0xff;
	v25 =	vmax.f32 v28, v25;
	v7 =	vmul.f32 $1.442695020e+00, v7;
	v9 =	vunpack.c.l.bf16.f32 v10  }
0x14a: {  	[tilespmem:s21+$0xFFFFFF60] =	vst v19;
	v27 =	vld.msk [tilespmem:s23+$0xFFFFFFA8], $0xff;
	v10 =	vmul.f32 v21, v4;
	v25 =	vsub.f32 v25, v1;
	v20 =	vmul.f32 v20, v6  }
0x14b: {  	v19 =	vld.msk [tilespmem:s30+$0xFFFFFFB8], $0xff;
	[tilespmem:s22+$0xE0] =	vst v24;
	v24 =	vmul.f32 $1.442695020e+00, v26;
	(erf) = vpow2.f32 v7;
	v7 =	vunpack.c.l.bf16.f32 v18  }
0x14c: {  	v28 =	vld.msk [tilespmem:s30+$0xFFFFFF78], $0xff;
	v9 =	vmul.f32 v9, v5;
	v18 =	vmul.f32 $1.442695020e+00, v25;
	[tilespmem:s26+$0xFFFFFF10] =	vst v20  }
0x14d: {  	[tilespmem:s26+$0xFFFFFF90] =	vst v10;
	(erf) = vpow2.f32 v24;
	v20 =	vld.msk [tilespmem:s25+$0xFFFFFF18], $0xff;
	v7 =	vmul.f32 v7, v16;
	v22 =	vunpack.c.l.bf16.f32 v22  }
0x14e: {  	v8 =	vunpack.c.l.bf16.f32 v8;
	v26 =	vld.msk [tilespmem:s23+$0x0], $0xff;
	[tilespmem:s26+$0x10] =	vst v9  }
0x14f: {  	v9 =	vunpack.c.l.bf16.f32 v27;
	(erf) = vpow2.f32 v18;
	v18 =	vld.msk [tilespmem:s25+$0xFFFFFF58], $0xff;
	[tilespmem:s22+$0xFFFFFF40] =	vst v7;
	v10 =	vpop (erf);
	v22 =	vmul.f32 v22, v17  }
0x150: {  	s28 =	sadd.s32 $0x100, s25;
	v24 =	vld.msk [tilespmem:s25+$0xFFFFFF98], $0xff;
	v7 =	vmul.f32 v8, v3;
	[tilespmem:s13+$0x10] =	vst v10  }
0x151: {  	v8 =	vmul.f32 v9, v2;
	[tilespmem:s26+$0xB0] =	vst v22;
	v9 =	vld.msk [tilespmem:s28+$0xFFFFFFC8], $0xff  }
0x152: {  	v20 =	vunpack.c.l.bf16.f32 v20;
	v22 =	vld.msk [tilespmem:s25+$0xFFFFFFE8], $0xff  }
0x153: {  	v25 =	vld.msk [tilespmem:s23+$0xFFFFFF30], $0xff;
	[tilespmem:s22+$0xFFFFFFC0] =	vst v7  }
0x154: {  	v21 =	vld.msk [tilespmem:s30+$0xFFFFFF40], $0xff;
	[tilespmem:s22+$0x40] =	vst v8;
	v18 =	vunpack.c.l.bf16.f32 v18;
	v7 =	vpop (erf);
	v20 =	vmul.f32 v20, v6  }
0x155: {  	v26 =	vunpack.c.l.bf16.f32 v26;
	v27 =	vld.msk [tilespmem:s23+$0xFFFFFF70], $0xff;
	v24 =	vunpack.c.l.bf16.f32 v24;
	[tilespmem:s13+$0xFFFFFFF0] =	vst v7  }
0x156: {  	s16 =	sadd.s32 $0x40, s3;
	v29 =	vld.msk [tilespmem:s23+$0xFFFFFFB0], $0xff;
	v18 =	vmul.f32 v18, v4;
	v8 =	vpop (erf);
	[tilespmem:s26+$0xFFFFFF20] =	vst v20;
	v57 =	vunpack.c.l.bf16.f32 v9  }
0x157: {  	v15 =	vmul.f32 v26, v15;
	v26 =	vld [tilespmem:s16+$0xFFFFFFE0];
	v20 =	vmul.f32 v24, v5;
	[tilespmem:s13+$0x0] =	vst v8;
	v22 =	vunpack.c.l.bf16.f32 v22  }
0x158: {  	v25 =	vunpack.c.l.bf16.f32 v25;
	v30 =	vld.msk [tilespmem:s28+$0xFFFFFF48], $0xff;
	[tilespmem:s26+$0xFFFFFFA0] =	vst v18;
	v32 =	vmul.f32 v10, v57  }
0x159: {  	s29 =	sadd.s32 $0x200, s26;
	v24 =	vld.msk [tilespmem:s25+$0xFFFFFF20], $0xff;
	[tilespmem:s26+$0x20] =	vst v20;
	v20 =	vmul.f32 v22, v17  }
0x15a: {  	v18 =	vld.msk [tilespmem:s25+$0xFFFFFF60], $0xff;
	v22 =	vmul.f32 v25, v16;
	[tilespmem:s29+$0x80] =	vst v32  }
0x15b: {  	v32 =	vld.msk [tilespmem:s28+$0xFFFFFFD0], $0xff;
	[tilespmem:s26+$0xC0] =	vst v20  }
0x15c: {  	v27 =	vunpack.c.l.bf16.f32 v27;
	[tilespmem:s22+$0xFFFFFF50] =	vst v22;
	v22 =	vunpack.c.l.bf16.f32 v23;
	v20 =	vld.msk [tilespmem:s25+$0xFFFFFFF0], $0xff  }
0x15d: {  	[tilespmem:s22+$0xF0] =	vst v15;
	v9 =	vpop (erf);
	v31 =	vld.msk [tilespmem:s28+$0xFFFFFF88], $0xff;
	v15 =	vunpack.c.l.bf16.f32 v30  }
0x15e: {  	[tilespmem:s13+$0xFFFFFFE0] =	vst v9;
	v27 =	vmul.f32 v27, v3;
	v13 =	vmul.f32 v22, v13;
	v22 =	vunpack.c.l.bf16.f32 v28;
	v28 =	vld [tilespmem:s16+$0x10]  }
0x15f: {  	v58 =	vld.msk [tilespmem:s28+$0xFFFFFF08], $0xff;
	v24 =	vunpack.c.l.bf16.f32 v24;
	v15 =	vmul.f32 v7, v15  }
0x160: {  	v21 =	vunpack.c.l.bf16.f32 v21;
	v25 =	vld.msk [tilespmem:s25+$0xFFFFFFA0], $0xff;
	[tilespmem:s22+$0xFFFFFFD0] =	vst v27;
	v32 =	vunpack.c.l.bf16.f32 v32  }
0x161: {  	v23 =	vld.msk [tilespmem:s23+$0xFFFFFF38], $0xff;
	v18 =	vunpack.c.l.bf16.f32 v18;
	[tilespmem:s29+$0xFFFFFF80] =	vst v15;
	v15 =	vmul.f32 v24, v6;
	v20 =	vunpack.c.l.bf16.f32 v20  }
0x162: {  	[tilespmem:s21+$0xF0] =	vst v13;
	v13 =	vmul.f32 v21, v14;
	v14 =	vunpack.c.l.bf16.f32 v29;
	v21 =	vld [tilespmem:s16+$0xFFFFFFF0];
	v29 =	vmul.f32 v32, v10  }
0x163: {  	v30 =	vld [tilespmem:s24+$0x0];
	v31 =	vunpack.c.l.bf16.f32 v31;
	[tilespmem:s26+$0xFFFFFF30] =	vst v15;
	v28 =	vadd.f32 v28, v34;
	v20 =	vmul.f32 v20, v17  }
0x164: {  	v59 =	vunpack.c.l.bf16.f32 v58;
	v18 =	vmul.f32 v18, v4;
	[tilespmem:s29+$0x90] =	vst v29;
	v29 =	vld [tilespmem:s16+$0x0]  }
0x165: {  	v19 =	vunpack.c.l.bf16.f32 v19;
	v24 =	vmul.f32 $2.000000030e-01, v28;
	v60 =	vld.msk [tilespmem:s28+$0xFFFFFFD8], $0xff;
	[tilespmem:s26+$0xD0] =	vst v20;
	v20 =	vmul.f32 v8, v31  }
0x166: {  	v25 =	vunpack.c.l.bf16.f32 v25;
	v27 =	vmul.f32 v9, v59;
	[tilespmem:s26+$0xFFFFFFB0] =	vst v18;
	v14 =	vmul.f32 v14, v2;
	v31 =	vld.msk [tilespmem:s25+$0xFFFFFFF8], $0xff  }
0x167: {  	v23 =	vunpack.c.l.bf16.f32 v23;
	[tilespmem:s29+$0x0] =	vst v20;
	v20 =	vadd.f32 v21, v35;
	v21 =	vmax.f32 v28, v24  }
0x168: {  	v22 =	vmul.f32 v22, v12;
	v15 =	vmul.f32 v25, v5;
	v25 =	vld.msk [tilespmem:s28+$0xFFFFFF50], $0xff;
	[tilespmem:s29+$0xFFFFFF00] =	vst v27;
	v21 =	vsub.f32 v21, v1  }
0x169: {  	v23 =	vmul.f32 v23, v16;
	[tilespmem:s22+$0x50] =	vst v14;
	v14 =	vmul.f32 v19, v11;
	v24 =	vld.msk [tilespmem:s28+$0xFFFFFF10], $0xff;
	v27 =	vadd.f32 v29, v30  }
0x16a: {  	[tilespmem:s26+$0x30] =	vst v15;
	v28 =	vld.msk [tilespmem:s28+$0xFFFFFF90], $0xff;
	v18 =	vmul.f32 $2.000000030e-01, v20;
	v29 =	vunpack.c.l.bf16.f32 v60;
	v15 =	vmul.f32 $1.442695020e+00, v21  }
0x16b: {  	v21 =	vadd.f32 v26, v61;
	v26 =	vld.msk [tilespmem:s25+$0xFFFFFF28], $0xff;
	v30 =	vmul.f32 $2.000000030e-01, v27;
	v31 =	vunpack.c.l.bf16.f32 v31  }
0x16c: {  	[tilespmem:s21+$0xFFFFFFE0] =	vst v22;
	v18 =	vmax.f32 v20, v18;
	v20 =	vld.msk [tilespmem:s25+$0xFFFFFF68], $0xff;
	v19 =	vmul.f32 v29, v10;
	(erf) = vpow2.f32 v15  }
0x16d: {  	[tilespmem:s22+$0xFFFFFF60] =	vst v23;
	v15 =	vld.msk [tilespmem:s25+$0xFFFFFFA8], $0xff;
	v29 =	vmul.f32 $2.000000030e-01, v21;
	v23 =	vmax.f32 v27, v30;
	v27 =	vmul.f32 v31, v17  }
0x16e: {  	v18 =	vsub.f32 v18, v1;
	v23 =	vsub.f32 v23, v1;
	[tilespmem:s29+$0xA0] =	vst v19;
	v19 =	vld.msk [tilespmem:s23+$0xFFFFFF78], $0xff  }
0x16f: {  	v25 =	vunpack.c.l.bf16.f32 v25;
	v24 =	vunpack.c.l.bf16.f32 v24;
	v21 =	vmax.f32 v21, v29;
	v30 =	vld.msk [tilespmem:s28+$0xFFFFFFE0], $0xff;
	[tilespmem:s26+$0xE0] =	vst v27  }
0x170: {  	[tilespmem:s21+$0x60] =	vst v14;
	v18 =	vmul.f32 $1.442695020e+00, v18;
	v14 =	vsub.f32 v21, v1;
	v22 =	vmul.f32 $1.442695020e+00, v23;
	v23 =	vld.msk [tilespmem:s25+$0x0], $0xff  }
0x171: {  	v28 =	vunpack.c.l.bf16.f32 v28;
	v21 =	vmul.f32 v24, v9;
	v24 =	vmul.f32 v25, v7;
	v25 =	vld.msk [tilespmem:s23+$0xFFFFFFB8], $0xff  }
0x172: {  	[tilespmem:s21+$0xFFFFFF70] =	vst v13;
	(erf) = vpow2.f32 v18;
	v18 =	vunpack.c.l.bf16.f32 v26;
	v26 =	vld.msk [tilespmem:s23+$0xFFFFFF40], $0xff;
	v14 =	vmul.f32 $1.442695020e+00, v14  }
0x173: {  	v13 =	vmul.f32 v28, v8;
	[tilespmem:s29+$0xFFFFFF10] =	vst v21;
	v21 =	vld.msk [tilespmem:s30+$0xFFFFFF80], $0xff;
	v15 =	vunpack.c.l.bf16.f32 v15;
	(erf) = vpow2.f32 v22  }
0x174: {  	[tilespmem:s29+$0xFFFFFF90] =	vst v24;
	v22 =	vld.msk [tilespmem:s28+$0xFFFFFF18], $0xff;
	v18 =	vmul.f32 v18, v6;
	(erf) = vpow2.f32 v14  }
0x175: {  	[tilespmem:s29+$0x10] =	vst v13;
	v27 =	vld.msk [tilespmem:s28+$0xFFFFFF58], $0xff;
	v15 =	vmul.f32 v15, v5;
	v24 =	vunpack.c.l.bf16.f32 v30;
	v13 =	vunpack.c.l.bf16.f32 v23  }
0x176: {  	[tilespmem:s26+$0xFFFFFF40] =	vst v18;
	v23 =	vld.msk [tilespmem:s28+$0xFFFFFF98], $0xff  }
0x177: {  	v20 =	vunpack.c.l.bf16.f32 v20;
	v14 =	vpop (erf);
	v28 =	vld.msk [tilespmem:s25+$0xFFFFFF30], $0xff;
	[tilespmem:s26+$0x40] =	vst v15;
	v24 =	vmul.f32 v24, v10;
	v13 =	vmul.f32 v13, v17  }
0x178: {  	s3 =	sadd.s32 $0x100, s28;
	[tilespmem:s24+$0x10] =	vst v14;
	v30 =	vld.msk [tilespmem:s25+$0xFFFFFFB0], $0xff  }
0x179: {  	v17 =	vmul.f32 v20, v4;
	[tilespmem:s29+$0xB0] =	vst v24;
	v24 =	vld.msk [tilespmem:s3+$0xFFFFFFC8], $0xff  }
0x17a: {  	v18 =	vunpack.c.l.bf16.f32 v22;
	[tilespmem:s26+$0xF0] =	vst v13;
	v22 =	vld.msk [tilespmem:s28+$0xFFFFFFE8], $0xff  }
0x17b: {  	v25 =	vunpack.c.l.bf16.f32 v25;
	v20 =	vld.msk [tilespmem:s30+$0xFFFFFFC0], $0xff;
	v27 =	vunpack.c.l.bf16.f32 v27;
	[tilespmem:s26+$0xFFFFFFC0] =	vst v17;
	v13 =	vpop (erf)  }
0x17c: {  	v17 =	vunpack.c.l.bf16.f32 v19;
	v19 =	vunpack.c.l.bf16.f32 v26;
	v29 =	vmul.f32 v18, v9;
	v26 =	vld.msk [tilespmem:s25+$0xFFFFFF70], $0xff;
	[tilespmem:s24+$0xFFFFFFF0] =	vst v13;
	v15 =	vpop (erf)  }
0x17d: {  	v21 =	vunpack.c.l.bf16.f32 v21;
	v27 =	vmul.f32 v27, v7;
	v23 =	vunpack.c.l.bf16.f32 v23;
	v31 =	vld.msk [tilespmem:s3+$0xFFFFFF48], $0xff;
	[tilespmem:s24+$0x0] =	vst v15  }
0x17e: {  	v18 =	vmul.f32 v17, v3;
	v17 =	vmul.f32 v19, v16;
	[tilespmem:s29+$0xFFFFFF20] =	vst v29;
	v24 =	vunpack.c.l.bf16.f32 v24;
	v16 =	vpop (erf);
	v62 =	vld.msk [tilespmem:s3+$0xFFFFFF88], $0xff  }
0x17f: {  	v12 =	vmul.f32 v21, v12;
	v21 =	vmul.f32 v23, v8;
	v29 =	vld.msk [tilespmem:s28+$0xFFFFFF20], $0xff;
	[tilespmem:s24+$0xFFFFFFE0] =	vst v16;
	v22 =	vunpack.c.l.bf16.f32 v22  }
0x180: {  	v19 =	vmul.f32 v25, v2;
	[tilespmem:s29+$0xFFFFFFA0] =	vst v27;
	v23 =	vunpack.c.l.bf16.f32 v28;
	v28 =	vld.msk [tilespmem:s3+$0xFFFFFF08], $0xff;
	v24 =	vmul.f32 v14, v24  }
0x181: {  	s30 =	sadd.s32 $0x200, s29;
	v20 =	vunpack.c.l.bf16.f32 v20;
	[tilespmem:s29+$0x20] =	vst v21;
	v21 =	vld.msk [tilespmem:s28+$0xFFFFFF60], $0xff;
	v25 =	vunpack.c.l.bf16.f32 v26;
	v22 =	vmul.f32 v22, v10  }
0x182: {  	v27 =	vunpack.c.l.bf16.f32 v30;
	v63 =	vmul.f32 v23, v6;
	v23 =	vld.msk [tilespmem:s28+$0xFFFFFFA0], $0xff;
	[tilespmem:s30+$0x80] =	vst v24;
	v30 =	vunpack.c.l.bf16.f32 v31  }
0x183: {  	v11 =	vmul.f32 v20, v11;
	v31 =	vmul.f32 v25, v4;
	v26 =	vld.msk [tilespmem:s3+$0xFFFFFFD0], $0xff;
	[tilespmem:s29+$0xC0] =	vst v22;
	v24 =	vunpack.c.l.bf16.f32 v62  }
0x184: {  	s31 =	sand.u32 $0x1, s19;
	v20 =	vmul.f32 v27, v5;
	[tilespmem:s26+$0xFFFFFF50] =	vst v63;
	v25 =	vunpack.c.l.bf16.f32 v29;
	v22 =	vld.msk [tilespmem:s28+$0xFFFFFFF0], $0xff;
	v27 =	vmul.f32 v13, v30  }
0x185: {  	s17 =	sadd.s32 $0x40, s24;
	s13 =	simm.s32 $0x10;
	s24 =	smov.u32 s3;
	v29 =	vunpack.c.l.bf16.f32 v28;
	[tilespmem:s26+$0xFFFFFFD0] =	vst v31;
	v28 =	vmul.f32 v15, v24;
	v24 =	vld.msk [tilespmem:s25+$0xFFFFFF38], $0xff  }
.LBB2_7:
0x186: {  	v30 =	vld [tilespmem:s17+$0x10];
	[tilespmem:s30+$0xFFFFFF80] =	vst v27;
	s16 =	sadd.s32 $0x40, s16;
	v25 =	vmul.f32 v25, v9;
	v21 =	vunpack.c.l.bf16.f32 v21  }
0x187: {  	v27 =	vld [tilespmem:s16+$0x10];
	v29 =	vmul.f32 v16, v29;
	[tilespmem:s30+$0x0] =	vst v28;
	v23 =	vunpack.c.l.bf16.f32 v23  }
0x188: {  	v28 =	vld [tilespmem:s16+$0xFFFFFFE0];
	v26 =	vunpack.c.l.bf16.f32 v26;
	[tilespmem:s29+$0xFFFFFF30] =	vst v25;
	v21 =	vmul.f32 v21, v7  }
0x189: {  	s13 =	sadd.s32 $0x4, s13;
	v25 =	vld [tilespmem:s17+$0xFFFFFFF0];
	[tilespmem:s30+$0xFFFFFF00] =	vst v29;
	v23 =	vmul.f32 v23, v8;
	v22 =	vunpack.c.l.bf16.f32 v22  }
0x18a: {  	p1 =	slt.u32 s13, $0x4C;
	v29 =	vld [tilespmem:s16+$0xFFFFFFF0];
	v26 =	vmul.f32 v26, v14;
	[tilespmem:s29+$0xFFFFFFB0] =	vst v21;
	v21 =	vunpack.c.l.bf16.f32 v24  }
0x18b: {  	v24 =	vld [tilespmem:s17+$0x0];
	[tilespmem:s29+$0x30] =	vst v23;
	v22 =	vmul.f32 v22, v10  }
0x18c: {  	v23 =	vld [tilespmem:s16+$0x0];
	v27 =	vadd.f32 v27, v30;
	[tilespmem:s30+$0x90] =	vst v26;
	v21 =	vmul.f32 v21, v6  }
0x18d: {  	v26 =	vld.msk [tilespmem:s3+$0xFFFFFFD8], $0xff;
	[tilespmem:s29+$0xD0] =	vst v22  }
0x18e: {  	v22 =	vmul.f32 $2.000000030e-01, v27;
	v30 =	vld.msk [tilespmem:s28+$0xFFFFFFF8], $0xff;
	[tilespmem:s26+$0x50] =	vst v20  }
0x18f: {  	v20 =	vld [tilespmem:s17+$0xFFFFFFE0];
	v25 =	vadd.f32 v29, v25;
	[tilespmem:s26+$0xFFFFFF60] =	vst v21  }
0x190: {  	v21 =	vmax.f32 v27, v22;
	v22 =	vld.msk [tilespmem:s3+$0xFFFFFF10], $0xff;
	[tilespmem:s22+$0xFFFFFFE0] =	vst v18  }
0x191: {  	v18 =	vmul.f32 $2.000000030e-01, v25;
	v23 =	vadd.f32 v23, v24;
	v21 =	vsub.f32 v21, v1;
	v24 =	vld.msk [tilespmem:s3+$0xFFFFFF50], $0xff;
	[tilespmem:s22+$0x60] =	vst v19  }
0x192: {  	v19 =	vld.msk [tilespmem:s3+$0xFFFFFF90], $0xff;
	v26 =	vunpack.c.l.bf16.f32 v26;
	[tilespmem:s22+$0xFFFFFF70] =	vst v17  }
0x193: {  	v17 =	vmul.f32 $2.000000030e-01, v23;
	v21 =	vmul.f32 $1.442695020e+00, v21;
	v27 =	vld.msk [tilespmem:s28+$0xFFFFFF28], $0xff;
	v29 =	vunpack.c.l.bf16.f32 v30;
	[tilespmem:s21+$0xFFFFFFF0] =	vst v12  }
0x194: {  	v18 =	vmax.f32 v25, v18;
	v12 =	vadd.f32 v28, v20;
	v20 =	vmul.f32 v26, v14;
	v25 =	vld.msk [tilespmem:s28+$0xFFFFFF68], $0xff;
	[tilespmem:s21+$0x70] =	vst v11;
	s21 =	smov.u32 s22;
	s22 =	smov.u32 s26;
	s26 =	smov.u32 s29  }
0x195: {  	s29 =	smov.u32 s30;
	v11 =	vmax.f32 v23, v17;
	(erf) = vpow2.f32 v21;
	v17 =	vld.msk [tilespmem:s28+$0xFFFFFFA8], $0xff;
	v21 =	vmul.f32 v29, v10  }
0x196: {  	v18 =	vsub.f32 v18, v1;
	v23 =	vmul.f32 $2.000000030e-01, v12;
	v11 =	vsub.f32 v11, v1;
	[tilespmem:s30+$0xA0] =	vst v20;
	v20 =	vld.msk [tilespmem:s25+$0xFFFFFF78], $0xff  }
0x197: {  	v22 =	vunpack.c.l.bf16.f32 v22;
	v24 =	vunpack.c.l.bf16.f32 v24;
	v19 =	vunpack.c.l.bf16.f32 v19;
	v26 =	vld.msk [tilespmem:s3+$0xFFFFFFE0], $0xff;
	[tilespmem:s26+$0xE0] =	vst v21  }
0x198: {  	v18 =	vmul.f32 $1.442695020e+00, v18;
	v12 =	vmax.f32 v12, v23;
	v11 =	vmul.f32 $1.442695020e+00, v11;
	v21 =	vld.msk [tilespmem:s28+$0x0], $0xff  }
0x199: {  	v22 =	vmul.f32 v22, v16;
	v23 =	vmul.f32 v24, v13;
	v12 =	vsub.f32 v12, v1;
	v24 =	vld.msk [tilespmem:s25+$0xFFFFFFB8], $0xff  }
0x19a: {  	(erf) = vpow2.f32 v18;
	v18 =	vmul.f32 v19, v15;
	v19 =	vunpack.c.l.bf16.f32 v27;
	v27 =	vld.msk [tilespmem:s25+$0xFFFFFF40], $0xff  }
0x19b: {  	v12 =	vmul.f32 $1.442695020e+00, v12;
	(erf) = vpow2.f32 v11;
	[tilespmem:s30+$0xFFFFFF10] =	vst v22;
	v11 =	vunpack.c.l.bf16.f32 v25;
	v22 =	vld.msk [tilespmem:s23+$0xFFFFFF80], $0xff  }
0x19c: {  	v17 =	vunpack.c.l.bf16.f32 v17;
	v25 =	vld.msk [tilespmem:s3+$0xFFFFFF18], $0xff;
	[tilespmem:s30+$0xFFFFFF90] =	vst v23;
	v23 =	vunpack.c.l.bf16.f32 v26;
	v19 =	vmul.f32 v19, v9  }
0x19d: {  	(erf) = vpow2.f32 v12;
	v12 =	vld.msk [tilespmem:s3+$0xFFFFFF58], $0xff;
	[tilespmem:s30+$0x10] =	vst v18;
	v11 =	vmul.f32 v11, v7;
	v18 =	vunpack.c.l.bf16.f32 v21  }
0x19e: {  	v28 =	vmul.f32 v17, v8;
	v17 =	vunpack.c.l.bf16.f32 v20;
	v21 =	vpop (erf);
	v26 =	vld.msk [tilespmem:s3+$0xFFFFFF98], $0xff;
	v23 =	vmul.f32 v23, v14;
	[tilespmem:s26+$0xFFFFFF40] =	vst v19  }
0x19f: {  	v24 =	vunpack.c.l.bf16.f32 v24;
	[tilespmem:s17+$0x10] =	vst v21;
	v20 =	vld.msk [tilespmem:s28+$0xFFFFFF30], $0xff;
	v19 =	vmul.f32 v18, v10;
	v27 =	vunpack.c.l.bf16.f32 v27;
	v10 =	vmovc v14;
	v14 =	vmovc v21  }
0x1a0: {  	s3 =	sadd.s32 $0x100, s3;
	v18 =	vmul.f32 v17, v4;
	[tilespmem:s30+$0xB0] =	vst v23;
	v21 =	vunpack.c.l.bf16.f32 v22;
	v22 =	vld.msk [tilespmem:s23+$0xFFFFFFC0], $0xff;
	s23 =	smov.u32 s25;
	s25 =	smov.u32 s28  }
0x1a1: {  	s28 =	smov.u32 s24;
	s24 =	smov.u32 s3;
	v23 =	vld.msk [tilespmem:s3+$0xFFFFFFC8], $0xff;
	v25 =	vunpack.c.l.bf16.f32 v25;
	[tilespmem:s26+$0xF0] =	vst v19;
	v17 =	vmul.f32 v27, v6;
	v19 =	vmul.f32 v24, v5;
	v6 =	vmovc v9  }
0x1a2: {  	v24 =	vunpack.c.l.bf16.f32 v12;
	v27 =	vld.msk [tilespmem:s28+$0xFFFFFFE8], $0xff;
	[tilespmem:s26+$0xFFFFFFC0] =	vst v11;
	v12 =	vmul.f32 v21, v3;
	v3 =	vmovc v4;
	v4 =	vmovc v7;
	v7 =	vmov v13  }
0x1a3: {  	v9 =	vmov v16;
	v13 =	vpop (erf);
	v11 =	vmul.f32 v25, v16;
	v21 =	vunpack.c.l.bf16.f32 v26;
	v25 =	vld.msk [tilespmem:s25+$0xFFFFFF70], $0xff;
	[tilespmem:s26+$0x40] =	vst v28  }
0x1a4: {  	[tilespmem:s17+$0xFFFFFFF0] =	vst v13;
	v26 =	vpop (erf);
	v24 =	vmul.f32 v24, v7;
	v20 =	vunpack.c.l.bf16.f32 v20;
	v28 =	vld.msk [tilespmem:s25+$0xFFFFFFB0], $0xff  }
0x1a5: {  	v29 =	vld.msk [tilespmem:s3+$0xFFFFFF48], $0xff;
	[tilespmem:s17+$0x0] =	vst v26;
	v30 =	vmul.f32 v21, v15;
	v21 =	vunpack.c.l.bf16.f32 v22  }
0x1a6: {  	v22 =	vld.msk [tilespmem:s3+$0xFFFFFF88], $0xff;
	v23 =	vunpack.c.l.bf16.f32 v23;
	v16 =	vpop (erf);
	[tilespmem:s30+$0xFFFFFF20] =	vst v11;
	v31 =	vmul.f32 v20, v6  }
0x1a7: {  	[tilespmem:s17+$0xFFFFFFE0] =	vst v16;
	v32 =	vld.msk [tilespmem:s28+$0xFFFFFF20], $0xff;
	v20 =	vunpack.c.l.bf16.f32 v27;
	v11 =	vmul.f32 v21, v2;
	v2 =	vmovc v5;
	v5 =	vmovc v8;
	v8 =	vmov v15  }
0x1a8: {  	v15 =	vmov v26;
	v33 =	vld.msk [tilespmem:s3+$0xFFFFFF08], $0xff;
	v23 =	vmul.f32 v14, v23;
	[tilespmem:s30+$0xFFFFFFA0] =	vst v24;
	v24 =	vunpack.c.l.bf16.f32 v25  }
.Ltmp2:
0x1a9: {  	s30 =	sadd.s32 $0x200, s30;
	v21 =	vld.msk [tilespmem:s28+$0xFFFFFF60], $0xff;
	[tilespmem:s29+$0x20] =	vst v30;
	v20 =	vmul.f32 v20, v10;
	v25 =	vunpack.c.l.bf16.f32 v28;
	(pc) =	sbr.rel @p1 .LBB2_7-.Ltmp2, $4  }
0x1aa: {  	v27 =	vunpack.c.l.bf16.f32 v29;
	[tilespmem:s30+$0x80] =	vst v23;
	v23 =	vld.msk [tilespmem:s28+$0xFFFFFFA0], $0xff;
	v30 =	vmul.f32 v24, v4  }
0x1ab: {  	v24 =	vunpack.c.l.bf16.f32 v22;
	v26 =	vld.msk [tilespmem:s3+$0xFFFFFFD0], $0xff;
	[tilespmem:s29+$0xC0] =	vst v20;
	v20 =	vmul.f32 v25, v5  }
0x1ac: {  	v27 =	vmul.f32 v13, v27;
	v25 =	vunpack.c.l.bf16.f32 v32;
	v22 =	vld.msk [tilespmem:s28+$0xFFFFFFF0], $0xff;
	[tilespmem:s26+$0xFFFFFF50] =	vst v31  }
0x1ad: {  	s17 =	sadd.s32 $0x40, s17;
	v29 =	vunpack.c.l.bf16.f32 v33;
	v28 =	vmul.f32 v15, v24;
	v24 =	vld.msk [tilespmem:s25+$0xFFFFFF38], $0xff;
	[tilespmem:s26+$0xFFFFFFD0] =	vst v30  }
0x1ae: {  	_ = 	snop  }
0x1af: {  	v29 =	vmul.f32 v16, v29;
	_ =	sdelay $0x1  }
0x1b0: {  	[tilespmem:s30+$0xFFFFFF00] =	vst v29  }
0x1b1: {  	v29 =	vld.msk [tilespmem:s3+$0xFFFFFF10], $0xff;
	_ =	sdelay $0x1  }
0x1b2: {  	[tilespmem:s30+$0xFFFFFF80] =	vst v27  }
0x1b3: {  	[tilespmem:s30+$0x0] =	vst v28;
	v27 =	vld.msk [tilespmem:s3+$0xFFFFFF50], $0xff;
	v26 =	vunpack.c.l.bf16.f32 v26  }
0x1b4: {  	v28 =	vld.msk [tilespmem:s3+$0xFFFFFF90], $0xff  }
0x1b5: {  	v26 =	vmul.f32 v26, v14;
	v52 =	vunpack.c.l.bf16.f32 v29;
	_ =	sdelay $0x1  }
0x1b6: {  	[tilespmem:s30+$0x90] =	vst v26;
	v26 =	vmul.f32 v52, v16  }
0x1b7: {  	v27 =	vunpack.c.l.bf16.f32 v27;
	v53 =	vld.msk [tilespmem:s3+$0xFFFFFFD8], $0xff  }
0x1b8: {  	v28 =	vunpack.c.l.bf16.f32 v28;
	[tilespmem:s30+$0xFFFFFF10] =	vst v26  }
0x1b9: {  	v54 =	vmul.f32 v27, v13;
	v55 =	vld.msk [tilespmem:s3+$0xFFFFFF18], $0xff  }
0x1ba: {  	v28 =	vmul.f32 v28, v15  }
0x1bb: {  	[tilespmem:s30+$0xFFFFFF90] =	vst v54  }
0x1bc: {  	v57 =	vld.msk [tilespmem:s3+$0xFFFFFF58], $0xff;
	[tilespmem:s30+$0x10] =	vst v28;
	v29 =	vunpack.c.l.bf16.f32 v53  }
0x1bd: {  	v28 =	vld.msk [tilespmem:s3+$0xFFFFFF98], $0xff  }
0x1be: {  	v56 =	vmul.f32 v29, v14;
	v58 =	vunpack.c.l.bf16.f32 v55;
	_ =	sdelay $0x1  }
0x1bf: {  	[tilespmem:s30+$0xA0] =	vst v56;
	v26 =	vmul.f32 v58, v16  }
0x1c0: {  	v29 =	vunpack.c.l.bf16.f32 v57;
	v59 =	vld.msk [tilespmem:s3+$0xFFFFFFE0], $0xff  }
0x1c1: {  	v25 =	vmul.f32 v25, v9;
	v28 =	vunpack.c.l.bf16.f32 v28;
	[tilespmem:s30+$0xFFFFFF20] =	vst v26  }
0x1c2: {  	[tilespmem:s26+$0x50] =	vst v20;
	v60 =	vmul.f32 v29, v13;
	v26 =	vld.msk [tilespmem:s24+$0xFFFFFF20], $0xff  }
0x1c3: {  	v21 =	vunpack.c.l.bf16.f32 v21;
	[tilespmem:s29+$0xFFFFFF30] =	vst v25;
	v62 =	vmul.f32 v28, v15  }
0x1c4: {  	v23 =	vunpack.c.l.bf16.f32 v23;
	[tilespmem:s30+$0xFFFFFFA0] =	vst v60  }
0x1c5: {  	v21 =	vmul.f32 v21, v7;
	v25 =	vld.msk [tilespmem:s24+$0xFFFFFF60], $0xff;
	[tilespmem:s30+$0x20] =	vst v62;
	v61 =	vunpack.c.l.bf16.f32 v59  }
0x1c6: {  	[tilespmem:s22+$0xFFFFFFE0] =	vst v18;
	v23 =	vmul.f32 v23, v8;
	v30 =	vld.msk [tilespmem:s24+$0xFFFFFFA0], $0xff  }
0x1c7: {  	v63 =	vld.msk [tilespmem:s28+$0xFFFFFF28], $0xff;
	[tilespmem:s29+$0xFFFFFFB0] =	vst v21;
	v21 =	vmul.f32 v61, v14;
	v31 =	vunpack.c.l.bf16.f32 v26  }
0x1c8: {  	v22 =	vunpack.c.l.bf16.f32 v22;
	[tilespmem:s29+$0x30] =	vst v23;
	v36 =	vld.msk [tilespmem:s28+$0xFFFFFF68], $0xff  }
0x1c9: {  	v38 =	vld.msk [tilespmem:s28+$0xFFFFFFA8], $0xff;
	[tilespmem:s30+$0xB0] =	vst v21;
	v21 =	vmul.f32 v31, v16  }
0x1ca: {  	[tilespmem:s22+$0x60] =	vst v19;
	v22 =	vmul.f32 v22, v10;
	v35 =	vunpack.c.l.bf16.f32 v25;
	v32 =	vld.msk [tilespmem:s24+$0xFFFFFFE8], $0xff  }
0x1cb: {  	v23 =	vunpack.c.l.bf16.f32 v30;
	[tilespmem:s30+$0xFFFFFF30] =	vst v21  }
0x1cc: {  	[tilespmem:s29+$0xD0] =	vst v22;
	v33 =	vunpack.c.l.bf16.f32 v63;
	v37 =	vmul.f32 v35, v13;
	v21 =	vld.msk [tilespmem:s24+$0xFFFFFF28], $0xff  }
0x1cd: {  	[tilespmem:s22+$0xFFFFFF70] =	vst v17;
	v34 =	vld.msk [tilespmem:s28+$0xFFFFFFF8], $0xff;
	v44 =	vunpack.c.l.bf16.f32 v36;
	v40 =	vmul.f32 v23, v15  }
0x1ce: {  	v20 =	vmul.f32 v33, v9;
	v47 =	vunpack.c.l.bf16.f32 v38;
	[tilespmem:s30+$0xFFFFFFB0] =	vst v37  }
0x1cf: {  	v19 =	vmul.f32 v44, v7;
	[tilespmem:s30+$0x30] =	vst v40;
	v43 =	vld.msk [tilespmem:s24+$0xFFFFFF68], $0xff;
	v39 =	vunpack.c.l.bf16.f32 v32  }
0x1d0: {  	[tilespmem:s29+$0xFFFFFF40] =	vst v20;
	v17 =	vmul.f32 v47, v8;
	v45 =	vld.msk [tilespmem:s24+$0xFFFFFFA8], $0xff  }
0x1d1: {  	v41 =	vld.msk [tilespmem:s28+$0xFFFFFF30], $0xff;
	[tilespmem:s29+$0xFFFFFFC0] =	vst v19;
	v20 =	vmul.f32 v39, v14;
	v46 =	vunpack.c.l.bf16.f32 v21  }
0x1d2: {  	v42 =	vunpack.c.l.bf16.f32 v34;
	v52 =	vld.msk [tilespmem:s28+$0xFFFFFF70], $0xff;
	[tilespmem:s29+$0x40] =	vst v17  }
0x1d3: {  	v56 =	vld.msk [tilespmem:s28+$0xFFFFFFB0], $0xff;
	[tilespmem:s30+$0xC0] =	vst v20;
	v20 =	vmul.f32 v46, v16  }
0x1d4: {  	[tilespmem:s21+$0xFFFFFFF0] =	vst v12;
	v18 =	vmul.f32 v42, v10;
	v51 =	vunpack.c.l.bf16.f32 v43;
	v48 =	vld.msk [tilespmem:s24+$0xFFFFFFF0], $0xff  }
0x1d5: {  	v63 =	vld.msk [tilespmem:s25+$0xFFFFFF78], $0xff;
	v53 =	vunpack.c.l.bf16.f32 v45;
	[tilespmem:s30+$0xFFFFFF40] =	vst v20  }
0x1d6: {  	[tilespmem:s29+$0xE0] =	vst v18;
	v49 =	vunpack.c.l.bf16.f32 v41;
	v54 =	vmul.f32 v51, v13;
	v55 =	vld.msk [tilespmem:s24+$0xFFFFFF30], $0xff  }
0x1d7: {  	[tilespmem:s21+$0x70] =	vst v11;
	v50 =	vld.msk [tilespmem:s28+$0x0], $0xff;
	v62 =	vunpack.c.l.bf16.f32 v52;
	v58 =	vmul.f32 v53, v15  }
0x1d8: {  	v28 =	vld.msk [tilespmem:s25+$0xFFFFFFB8], $0xff;
	v18 =	vmul.f32 v49, v9;
	v27 =	vunpack.c.l.bf16.f32 v56;
	[tilespmem:s30+$0xFFFFFFC0] =	vst v54  }
0x1d9: {  	v12 =	vmul.f32 v62, v7;
	v61 =	vld.msk [tilespmem:s24+$0xFFFFFF70], $0xff;
	[tilespmem:s30+$0x40] =	vst v58;
	v57 =	vunpack.c.l.bf16.f32 v48  }
0x1da: {  	v24 =	vunpack.c.l.bf16.f32 v24;
	[tilespmem:s29+$0xFFFFFF50] =	vst v18;
	v11 =	vmul.f32 v27, v8;
	v21 =	vld.msk [tilespmem:s24+$0xFFFFFFB0], $0xff  }
0x1db: {  	v59 =	vld.msk [tilespmem:s28+$0xFFFFFF38], $0xff;
	[tilespmem:s29+$0xFFFFFFD0] =	vst v12;
	v18 =	vmul.f32 v57, v14;
	v26 =	vunpack.c.l.bf16.f32 v55  }
0x1dc: {  	v24 =	vmul.f32 v24, v6;
	v60 =	vunpack.c.l.bf16.f32 v50;
	[tilespmem:s29+$0x50] =	vst v11;
	v37 =	vld.msk [tilespmem:s28+$0xFFFFFF78], $0xff  }
0x1dd: {  	v19 =	vunpack.c.l.bf16.f32 v28;
	v38 =	vld.msk [tilespmem:s28+$0xFFFFFFB8], $0xff;
	[tilespmem:s30+$0xD0] =	vst v18;
	v17 =	vmul.f32 v26, v16  }
0x1de: {  	[tilespmem:s26+$0xFFFFFF60] =	vst v24;
	v25 =	vmul.f32 v60, v10;
	v31 =	vunpack.c.l.bf16.f32 v61;
	v18 =	vld.msk [tilespmem:s24+$0xFFFFFFF8], $0xff  }
0x1df: {  	v19 =	vmul.f32 v19, v5;
	v32 =	vld.msk [tilespmem:s23+$0xFFFFFF80], $0xff;
	v21 =	vunpack.c.l.bf16.f32 v21;
	[tilespmem:s30+$0xFFFFFF50] =	vst v17  }
0x1e0: {  	[tilespmem:s29+$0xF0] =	vst v25;
	v29 =	vunpack.c.l.bf16.f32 v59;
	v34 =	vmul.f32 v31, v13;
	v35 =	vld.msk [tilespmem:s24+$0xFFFFFF38], $0xff  }
0x1e1: {  	v30 =	vld.msk [tilespmem:s25+$0xFFFFFF40], $0xff;
	[tilespmem:s26+$0x60] =	vst v19;
	v47 =	vunpack.c.l.bf16.f32 v37;
	v21 =	vmul.f32 v21, v15  }
0x1e2: {  	v33 =	vunpack.c.l.bf16.f32 v63;
	v10 =	vmul.f32 v29, v9;
	v43 =	vld.msk [tilespmem:s23+$0xFFFFFFC0], $0xff;
	[tilespmem:s30+$0xFFFFFFD0] =	vst v34  }
0x1e3: {  	v12 =	vmul.f32 v47, v7;
	[tilespmem:s30+$0x50] =	vst v21;
	v40 =	vld.msk [tilespmem:s24+$0xFFFFFF78], $0xff;
	v36 =	vunpack.c.l.bf16.f32 v18  }
0x1e4: {  	[tilespmem:s29+$0xFFFFFF60] =	vst v10;
	v41 =	vunpack.c.l.bf16.f32 v32;
	v42 =	vld.msk [tilespmem:s24+$0xFFFFFFB8], $0xff;
	v17 =	vmul.f32 v33, v4  }
0x1e5: {  	[tilespmem:s29+$0xFFFFFFE0] =	vst v12;
	v48 =	vld.msk [tilespmem:s28+$0xFFFFFF40], $0xff;
	v10 =	vmul.f32 v36, v14;
	v45 =	vunpack.c.l.bf16.f32 v35  }
0x1e6: {  	v49 =	vunpack.c.l.bf16.f32 v38;
	v3 =	vmul.f32 v41, v3;
	[tilespmem:s26+$0xFFFFFFE0] =	vst v17  }
0x1e7: {  	v51 =	vld.msk [tilespmem:s25+$0xFFFFFFC0], $0xff;
	v53 =	vunpack.c.l.bf16.f32 v43;
	[tilespmem:s30+$0xE0] =	vst v10;
	v10 =	vmul.f32 v45, v16  }
0x1e8: {  	v39 =	vunpack.c.l.bf16.f32 v30;
	[tilespmem:s22+$0xFFFFFFF0] =	vst v3;
	v18 =	vmul.f32 v49, v8;
	v3 =	vld.msk [tilespmem:s25+$0xFFFFFF80], $0xff;
	v50 =	vunpack.c.l.bf16.f32 v40  }
0x1e9: {  	v2 =	vmul.f32 v53, v2;
	v55 =	vld.msk [tilespmem:s28+$0xFFFFFF80], $0xff;
	v52 =	vunpack.c.l.bf16.f32 v42;
	[tilespmem:s30+$0xFFFFFF60] =	vst v10  }
0x1ea: {  	v44 =	vmul.f32 v39, v6;
	v6 =	vunpack.c.l.bf16.f32 v48;
	[tilespmem:s29+$0x60] =	vst v18;
	v19 =	vmul.f32 v50, v13;
	v54 =	vld.msk [tilespmem:s24+$0xFFFFFF40], $0xff  }
0x1eb: {  	[tilespmem:s22+$0x70] =	vst v2;
	v56 =	vld.msk [tilespmem:s28+$0xFFFFFFC0], $0xff;
	v10 =	vmul.f32 v52, v15  }
0x1ec: {  	v58 =	vunpack.c.l.bf16.f32 v51;
	v2 =	vmul.f32 v6, v9;
	v46 =	vld.msk [tilespmem:s24+$0x0], $0xff;
	[tilespmem:s30+$0xFFFFFFE0] =	vst v19  }
0x1ed: {  	v3 =	vunpack.c.l.bf16.f32 v3;
	v57 =	vld.msk [tilespmem:s24+$0xFFFFFF80], $0xff;
	[tilespmem:s30+$0x60] =	vst v10  }
0x1ee: {  	v61 =	vmul.f32 v58, v5;
	[tilespmem:s29+$0xFFFFFF70] =	vst v2;
	v2 =	vunpack.c.l.bf16.f32 v55;
	v59 =	vld.msk [tilespmem:s24+$0xFFFFFFC0], $0xff  }
0x1ef: {  	[tilespmem:s26+$0xFFFFFF70] =	vst v44;
	v3 =	vmul.f32 v3, v4;
	v60 =	vunpack.c.l.bf16.f32 v54  }
0x1f0: {  	[tilespmem:s26+$0x70] =	vst v61;
	v2 =	vmul.f32 v2, v7;
	v62 =	vunpack.c.l.bf16.f32 v56  }
0x1f1: {  	v11 =	vunpack.c.l.bf16.f32 v46;
	[tilespmem:s26+$0xFFFFFFF0] =	vst v3;
	v3 =	vmul.f32 v60, v16  }
0x1f2: {  	[tilespmem:s29+$0xFFFFFFF0] =	vst v2;
	v4 =	vmul.f32 v62, v8;
	v63 =	vunpack.c.l.bf16.f32 v57  }
0x1f3: {  	s13 =	smul.u32 $0x1400, s31;
	s28 =	sand.u32 $0x3, s19;
	v11 =	vmul.f32 v11, v14;
	[tilespmem:s30+$0xFFFFFF70] =	vst v3;
	v3 =	vunpack.c.l.bf16.f32 v59  }
0x1f4: {  	s3 =	smul.u32 $0x140, s28;
	[tilespmem:s29+$0x70] =	vst v4;
	v2 =	vmul.f32 v63, v13  }
0x1f5: {  	[tilespmem:s30+$0xF0] =	vst v11;
	v3 =	vmul.f32 v3, v15  }
0x1f6: {  	s13 =	sshrl.u32 s13, $0x2;
	s3 =	sshrl.u32 s3, $0x2;
	[tilespmem:s30+$0xFFFFFFF0] =	vst v2  }
0x1f7: {  	s17 =	smul.u32 $0xA000, s31;
	s13 =	sadd.s32 $0x16600, s13;
	s3 =	sadd.s32 $0x164C0, s3;
	[tilespmem:s30+$0x70] =	vst v3  }
0x1f8: {  	[spmem:s4] =	stream.indirect.scatter.add.f32 [tilespmem:s13], [sflag:$0x3], $0x10, s3, s15, $0xb8;
	[tilespmem:$0x1F210] =	vst v63  }
0x1f9: {  	s13 =	sadd.s32 $0x2, s19  }
0x1fa: {  	s17 =	sshrl.u32 s17, $0x2;
	p1 =	slt.s32 s13, $0x7C  }
0x1fb: {  	s17 =	sadd.s32 $0x1A200, s17;
	s16 =	sand.u32 $0x3, s13;
	s13 =	simm.s32 @!p1 $0x7C  }
0x1fc: {  	[spmem:s2] =	stream.indirect.scatter.add.f32 [tilespmem:s17], [sflag:$0x3], $0x80, s3, s15, $0xb8;
	[tilespmem:$0x1F210] =	vst v63  }
0x1fd: {  	s13 =	sshll.u32 s13, $0x5  }
0x1fe: {  	s16 =	smul.u32 $0x50, s16;
	s13 =	sor.u32 s11, s13  }
0x1ff: {  	p1 =	sne.s32 s20, $0x7D;
	s13 =	smul.u32 $0xA, s13  }
.Ltmp3:
0x200: {  	_ = 	snop;
	(pc) =	sbr.rel @p1 .LBB2_6-.Ltmp3, $4  }
0x201: {  	p0 =	por !p0, !p0;
	s29 =	sadd.s32 $0x16380, s16;
	s30 =	sadd.s32 s9, s13  }
0x202: {  	[tilespmem:s29], [sflag:$0x1] =	stream.linear.gather [hbm4b:s30+s5], $0x50, $0x38;
	[tilespmem:$0x1F210] =	vst v63  }
0x203: {  	s19 =	smov.u32 s20;
	s31 =	sadd.s32 $0x164C0, s16;
	s13 =	sadd.s32 s10, s13  }
0x204: {  	[tilespmem:s31], [sflag:$0x1] =	stream.linear.gather [hbm4b:s13+s5], $0x50, $0x38;
	[tilespmem:$0x1F210] =	vst v63  }
0x205: {  	_ =	swait.ge [sflag:s8], $0x500  }
0x206: {  	[sflag:s8] =	ssyncset.done $0x0  }
0x207: {  	[sflag:s8] =	ssyncadd.s32 $0xFFFFFB00  }
0x208: {  	_ =	swait.ge [sflag:s8], $0x500  }
0x209: {  	[sflag:s8] =	ssyncset.done $0x0  }
0x20a: {  	[sflag:s8] =	ssyncadd.s32 $0xFFFFFB00  }
0x20b: {  	_ =	swait.ge [sflag:s8], $0x1400  }
0x20c: {  	[sflag:s8] =	ssyncset.done $0x0  }
0x20d: {  	s3 =	simm.s32 $0x3;
	[sflag:s8] =	ssyncadd.s32 $0xFFFFEC00  }
0x20e: {  	_ =	swait.ge [sflag:s3], $0x500  }
0x20f: {  	[sflag:s3] =	ssyncset.done $0x0  }
0x210: {  	[sflag:s3] =	ssyncadd.s32 $0xFFFFFB00  }
0x211: {  	_ =	swait.ge [sflag:s3], $0x2800  }
0x212: {  	[sflag:s3] =	ssyncset.done $0x0  }
0x213: {  	[sflag:s3] =	ssyncadd.s32 $0xFFFFD800  }
0x214: {  	_ =	swait.ge [sflag:s14], $0x50  }
0x215: {  	[sflag:s14] =	ssyncset.done $0x0  }
0x216: {  	[sflag:s14] =	ssyncadd.s32 $0xFFFFFFB0  }
0x217: {  	_ =	swait.ge [sflag:s14], $0x50  }
0x218: {  	[sflag:s14] =	ssyncset.done $0x0  }
0x219: {  	[sflag:s14] =	ssyncadd.s32 $0xFFFFFFB0  }
0x21a: {  	s28 =	stileid.u32;
	[bflag:$0x0] =	sbarrier.arrive $0xFFFF  }
0x21b: {  	s3 =	sshll.u32 s28, $0x6;
	s19 =	rddreg [dreg:$0xa]  }
0x21c: {  	s3 =	sor.u32 $0x1C04, s3;
	s16 =	rddreg [dreg:$0x16];
	s13 =	sshrl.u32 s19, $0x3  }
0x21d: {  	[hbm:s16], [sflag:s3] =	dma.local [spmem:s13], $0x2780  }
0x21e: {  	_ =	swait.ge [sflag:s0], $0x2780  }
0x21f: {  	[sflag:s0] =	ssyncset.done $0x0;
	s17 =	rddreg [dreg:$0x12]  }
0x220: {  	s30 =	rddreg [dreg:$0x17];
	[sflag:s0] =	ssyncadd.s32 $0xFFFFD880;
	s29 =	sshrl.u32 s17, $0x3  }
0x221: {  	[hbm:s30], [sflag:s3] =	dma.local [spmem:s29], $0x4F0  }
0x222: {  	_ =	swait.ge [sflag:s0], $0x4F0  }
0x223: {  	s18 =	sadd.s32 $0x1, s18;
	s31 =	rddreg [dreg:$0x18]  }
0x224: {  	p0 =	sne.s32 s18, s31  }
.Ltmp4:
0x225: {  	_ = 	snop;
	(pc) =	sbr.rel @p0 .LBB2_1-.Ltmp4, $3  }
0x226: {  	_ =	sdelay $0x1  }
0x227: {  	[sflag:s0] =	ssyncset.done $0x0  }
0x228: {  	s20 =	simm.s32 $0x16380;
	s21 =	simm.s32 $0x164C0;
	[sflag:s0] =	ssyncadd.s32 $0xFFFFFB10  }
0x229: {  	_ =	sfence.sel $0x180000  }
0x22a: {  	[bflag:$0x0] =	sbarrier.arrive $0xFFFF  }
0x22b: {  	_ =	strace $0x90000047  }
0x22c: {  	s0 =	stileid.u32;
	[bflag:$0x2] =	sbarrier.arrive $0xFFFF  }
0x22d: {  	p0 =	sne.s32 s0, $0x0;
	s0 =	rddreg [dreg:$0x4]  }
0x22e: {  	s0 =	sadd.s32 @!p0 $0x100000, s0  }
0x22f: {  	[sflag:s0] =	ssyncadd.tile.s32 @!p0 $0x1;
	_ =	shalt  }
.Lfunc_end2:
_tile_overlayer_lowered:
.L_overlay_start_2:
0x230: {  	(tag) =	ssettag $0x2  }
0x231: {  	s0 =	rddreg [dreg:$0x0];
	s2 =	stileid.u32  }
0x232: {  	s1 =	rddreg [dreg:$0x1];
	p0 =	sne.s32 s2, $0x0  }
0x233: {  	s3 =	rddreg [dreg:$0x2];
	[bflag:$0x3] =	sbarrier.arrive $0xFFFF;
	s2 =	simm.s32 @!p0 $0x1C04  }
0x234: {  	[timem:s3], [sflag:s2] =	dma.local @!p0 [hbm:s0], s1  }
0x235: {  	s0 =	simm.s32 @!p0 $0x4  }
0x236: {  	_ =	swait.ge @!p0 [sflag:s0], s1  }
0x237: {  	s1 =	ssub.s32 @!p0 $0x0, s1;
	[sflag:s0] =	ssyncset.done @!p0 $0x0  }
0x238: {  	[sflag:s0] =	ssyncadd.s32 @!p0 s1  }
0x239: {  	[bflag:$0x3] =	sbarrier.arrive $0xFFFF  }
0x23a: {  	_ =	shalt  }

</sc_bundles>
